<compile_context>
chip_gen: v7x
topology: tpu7x:2x2x1
jax: 0.10.2.dev20260603
libtpu: 0.0.44.dev20260713+nightly
codegen_flags: <defaults>
</compile_context>

<pallas_src>
import functools

import jax
import jax.numpy as jnp
from jax import lax
from jax.experimental import pallas as pl
from jax.experimental.pallas import tpu as pltpu
from jax.experimental.pallas import tpu_sc as plsc

N = 100000
B = 2
H = 360
W = 360
C = 256
D = 128
NH = 8
HD = 16
M = B * H * W
NW = 32
SEC = 8112
M32 = NW * SEC
RB = 312
NCH = SEC // RB

_mesh = plsc.VectorSubcoreMesh(core_axis_name="c", subcore_axis_name="s")


@functools.partial(
    pl.kernel,
    mesh=_mesh,
    out_type=jax.ShapeDtypeStruct((M32,), jnp.int32),
    scratch_types=[
        pltpu.VMEM((N,), jnp.int32),
        pltpu.VMEM((SEC,), jnp.int32),
    ],
    compiler_params=pltpu.CompilerParams(needs_layout_passes=False),
)
def _sc_winner(flat_hbm, win_hbm, flat_v, canvas_v):
    wid = lax.axis_index("s") * 2 + lax.axis_index("c")
    base = wid * SEC
    pltpu.sync_copy(flat_hbm, flat_v)

    neg = jnp.full((16,), -1, jnp.int32)

    def init(i, carry):
        canvas_v[pl.ds(i * 16, 16)] = neg
        return carry

    lax.fori_loop(0, SEC // 16, init, 0)

    iota = lax.iota(jnp.int32, 16)

    def body(j, carry):
        f = flat_v[pl.ds(j * 16, 16)]
        rel = f - base
        mask = (rel >= 0) & (rel < SEC)
        ids = iota + j * 16
        plsc.store_scatter(canvas_v, [rel], ids, mask=mask)
        return carry

    lax.fori_loop(0, N // 16, body, 0)
    pltpu.sync_copy(canvas_v, win_hbm.at[pl.ds(base, SEC)])


@functools.partial(
    pl.kernel,
    mesh=_mesh,
    out_type=jax.ShapeDtypeStruct((M32, D), jnp.float32),
    scratch_types=[
        pltpu.VMEM((SEC,), jnp.int32),
        pltpu.VMEM((RB, D), jnp.float32),
        pltpu.VMEM((RB, D), jnp.float32),
        pltpu.SemaphoreType.DMA,
        pltpu.SemaphoreType.DMA,
    ],
    compiler_params=pltpu.CompilerParams(needs_layout_passes=False),
)
def _sc_gather(win_hbm, vf_hbm, canvas_hbm, idx_v, buf_a, buf_b, sem_a, sem_b):
    wid = lax.axis_index("s") * 2 + lax.axis_index("c")
    base = wid * SEC
    pltpu.sync_copy(win_hbm.at[pl.ds(base, SEC)], idx_v)

    iota = lax.iota(jnp.int32, 16)

    def fix(j, carry):
        w = idx_v[pl.ds(j * 16, 16)]
        p = base + j * 16 + iota
        dummy = jnp.where(p >= N, p - N, p)
        dummy = jnp.where(dummy >= N, dummy - N, dummy)
        idx_v[pl.ds(j * 16, 16)] = jnp.where(w < 0, dummy, w)
        return carry

    lax.fori_loop(0, SEC // 16, fix, 0)

    def step(i, carry):
        off_a = (2 * i) * RB
        off_b = (2 * i + 1) * RB
        cp_a = pltpu.async_copy(vf_hbm.at[idx_v.at[pl.ds(off_a, RB)]], buf_a, sem_a)
        cp_b = pltpu.async_copy(vf_hbm.at[idx_v.at[pl.ds(off_b, RB)]], buf_b, sem_b)
        cp_a.wait()
        pltpu.sync_copy(buf_a, canvas_hbm.at[pl.ds(base + off_a, RB)])
        cp_b.wait()
        pltpu.sync_copy(buf_b, canvas_hbm.at[pl.ds(base + off_b, RB)])
        return carry

    lax.fori_loop(0, NCH // 2, step, 0)


TY = 8


def _tc_body(img_ref, cv_ref, win_ref, wq_ref, wk_ref, wv_ref, wo_ref,
             seg_ref, sog_ref, hs_ref, hst_ref, kb_ref, bq_ref, bv_ref,
             bo_ref, gse_ref, gso_ref, bse_ref, bso_ref, gr_ref, br_ref,
             o256_ref, o128_ref, out_ref):
    wq = wq_ref[...]
    wk = wk_ref[...]
    wv = wv_ref[...]
    wo = wo_ref[...]
    seg = seg_ref[...]
    sog = sog_ref[...]
    hs = hs_ref[...]
    hst = hst_ref[...]
    kb = kb_ref[...]
    bq_ = bq_ref[...]
    bv_ = bv_ref[...]
    bo_ = bo_ref[...]
    gse = gse_ref[...]
    gso = gso_ref[...]
    bse = bse_ref[...]
    bso = bso_ref[...]
    gr = gr_ref[...]
    br = br_ref[...]
    o256 = o256_ref[...]
    o128 = o128_ref[...]

    P = TY * W
    x = img_ref[0].reshape(C, P)
    mu = o256 @ x
    ss = o256 @ (x * x)
    rstd = lax.rsqrt(ss - mu * mu + 1e-5)

    s0 = jnp.transpose(cv_ref[...])
    s1 = (seg @ x - gse * mu) * rstd + bse
    s2 = (sog @ x - gso * mu) * rstd + bso
    src = jnp.maximum(s0, jnp.maximum(s1, s2))

    q = wq @ src + bq_

    slots = (s0, s1, s2)
    logits = []
    vals = []
    for j in range(3):
        k = wk @ slots[j] + kb[:, j:j + 1]
        v = wv @ slots[j] + bv_
        logits.append((hs @ (q * k)) * 0.25)
        vals.append(v)

    mx = jnp.maximum(logits[0], jnp.maximum(logits[1], logits[2]))
    e0 = jnp.exp(logits[0] - mx)
    e1 = jnp.exp(logits[1] - mx)
    e2 = jnp.exp(logits[2] - mx)
    rz = 1.0 / (e0 + e1 + e2)
    ctx = (hst @ (e0 * rz)) * vals[0]
    ctx = ctx + (hst @ (e1 * rz)) * vals[1]
    ctx = ctx + (hst @ (e2 * rz)) * vals[2]

    o = wo @ ctx + bo_
    y = o + src
    mu2 = o128 @ y
    ss2 = o128 @ (y * y)
    y = (y - mu2) * lax.rsqrt(ss2 - mu2 * mu2 + 1e-5) * gr + br

    mask = win_ref[0] >= 0
    y = jnp.where(mask, y, 0.0)
    out_ref[0] = y.reshape(D, TY, W)


def _full(shape):
    rank = len(shape)
    return pl.BlockSpec(shape, lambda b, h, _r=rank: (0,) * _r)


def kernel(voxel_features, voxel_coords, spatial_features_img, ln_img_g,
           ln_img_b, pos_emb, Wq, bq, Wk, bk, Wv, bv, Wo, bo, ln_red_g,
           ln_red_b):
    flat = ((voxel_coords[:, 0] * H + voxel_coords[:, 2]) * W
            + voxel_coords[:, 3]).astype(jnp.int32)

    winner = _sc_winner(flat)
    canvas = _sc_gather(winner, voxel_features)

    NR = H // TY
    P = TY * W
    img4 = spatial_features_img
    win3 = winner[:M].reshape(B * NR, 1, P)

    ar = jnp.arange
    f32 = jnp.float32
    se = (ar(C)[None, :] == 2 * ar(D)[:, None]).astype(f32)
    so = (ar(C)[None, :] == 2 * ar(D)[:, None] + 1).astype(f32)
    hs = (ar(D)[None, :] // HD == ar(NH)[:, None]).astype(f32)
    hst = hs.T
    kb = (pos_emb @ Wk.T + bk).T
    seg = se * ln_img_g[None, :]
    sog = so * ln_img_g[None, :]
    gse = (se @ ln_img_g)[:, None]
    gso = (so @ ln_img_g)[:, None]
    bse = (se @ ln_img_b)[:, None]
    bso = (so @ ln_img_b)[:, None]
    o256 = jnp.full((1, C), 1.0 / C, f32)
    o128 = jnp.full((1, D), 1.0 / D, f32)

    out = pl.pallas_call(
        _tc_body,
        grid=(B, NR),
        in_specs=[
            pl.BlockSpec((1, C, TY, W), lambda b, h: (b, 0, h, 0)),
            pl.BlockSpec((P, D), lambda b, h: (b * (H // TY) + h, 0)),
            pl.BlockSpec((1, 1, P), lambda b, h: (b * (H // TY) + h, 0, 0)),
            _full((D, D)), _full((D, D)), _full((D, D)), _full((D, D)),
            _full((D, C)), _full((D, C)), _full((NH, D)), _full((D, NH)),
            _full((D, 3)), _full((D, 1)), _full((D, 1)), _full((D, 1)),
            _full((D, 1)), _full((D, 1)), _full((D, 1)), _full((D, 1)),
            _full((D, 1)), _full((D, 1)), _full((1, C)), _full((1, D)),
        ],
        out_specs=pl.BlockSpec((1, D, TY, W), lambda b, h: (b, 0, h, 0)),
        out_shape=jax.ShapeDtypeStruct((B, D, H, W), jnp.float32),
    )(img4, canvas, win3, Wq, Wk, Wv, Wo, seg, sog, hs, hst,
      kb, bq[:, None], bv[:, None], bo[:, None], gse, gso, bse, bso,
      ln_red_g[:, None], ln_red_b[:, None], o256, o128)
    return out

# --- scband reference (transcript-rebuilt; emitter-appended) ---
"""Pipeline reference for scband-sparse-pool-87771951661501 (READ-ONLY COPY).

The authoritative reference and input builder live on the scoring server;
editing this copy changes nothing except your own understanding.
"""

import jax, jax.numpy as jnp
import numpy as np

N = 100000
B = 2
H = 360
W = 360
C_IMG = 256
D = 128
POOL = 3
NHEAD = 8
HEAD_DIM = D // NHEAD


def _layernorm(x, g, b, eps=1e-5):
    m = jnp.mean(x, axis=-1, keepdims=True)
    v = jnp.mean((x - m) ** 2, axis=-1, keepdims=True)
    return (x - m) / jnp.sqrt(v + eps) * g + b


def setup_inputs(seed: int = 0):
    key = jax.random.key(seed)
    ks = jax.random.split(key, 20)
    voxel_features = jax.random.normal(ks[0], (N, D), dtype=jnp.float32)
    cb = jax.random.randint(ks[1], (N,), 0, B)
    cz = jnp.zeros((N,), dtype=jnp.int32)
    cy = jax.random.randint(ks[2], (N,), 0, H)
    cx = jax.random.randint(ks[3], (N,), 0, W)
    voxel_coords = jnp.stack([cb, cz, cy, cx], axis=1).astype(jnp.int32)
    spatial_features_img = jax.random.normal(ks[4], (B, C_IMG, H, W), dtype=jnp.float32)
    s = 0.02
    return {
        'voxel_features': voxel_features,
        'voxel_coords': voxel_coords,
        'spatial_features_img': spatial_features_img,
        'ln_img_g': jnp.ones((C_IMG,), jnp.float32),
        'ln_img_b': jnp.zeros((C_IMG,), jnp.float32),
        'pos_emb': jax.random.normal(ks[5], (POOL, D), jnp.float32) * s,
        'Wq': jax.random.normal(ks[6], (D, D), jnp.float32) * s,
        'bq': jnp.zeros((D,), jnp.float32),
        'Wk': jax.random.normal(ks[7], (D, D), jnp.float32) * s,
        'bk': jnp.zeros((D,), jnp.float32),
        'Wv': jax.random.normal(ks[8], (D, D), jnp.float32) * s,
        'bv': jnp.zeros((D,), jnp.float32),
        'Wo': jax.random.normal(ks[9], (D, D), jnp.float32) * s,
        'bo': jnp.zeros((D,), jnp.float32),
        'ln_red_g': jnp.ones((D,), jnp.float32),
        'ln_red_b': jnp.zeros((D,), jnp.float32),
    }


def _forward(voxel_features, spatial_features_img, ln_img_g, ln_img_b, pos_emb,
             Wq, bq, Wk, bk, Wv, bv, Wo, bo, ln_red_g, ln_red_b, voxel_coords):
    cb = voxel_coords[:, 0]
    cy = voxel_coords[:, 2]
    cx = voxel_coords[:, 3]
    # gather per-voxel image BEV features: [N, 256]
    vimg = spatial_features_img[cb, :, cy, cx]
    vimg = _layernorm(vimg, ln_img_g, ln_img_b)
    # view(N, 128, 2).permute(0,2,1).reshape(2N, 128)
    vimg = vimg.reshape(N, D, -1).transpose(0, 2, 1).reshape(-1, D)
    voxel_feat = jnp.concatenate([voxel_features, vimg], axis=0)  # [3N, D]
    # pooling indices: pool i receives voxel i (slot 0) and its two img slices (slots 1,2)
    mapping = jnp.concatenate([jnp.arange(N), jnp.repeat(jnp.arange(N), 2)])
    in_pool = jnp.concatenate([jnp.zeros((N,), jnp.int32),
                               jnp.tile(jnp.array([1, 2], jnp.int32), N)])
    prepool = jnp.zeros((N, POOL, D), voxel_feat.dtype).at[mapping, in_pool].set(voxel_feat)
    prepool = prepool.transpose(0, 2, 1)  # [N, D, POOL]
    # Stage_ReductionAtt_Block: maxpool query + MHA + residual LN (mask all-zero => no masking)
    src = jnp.max(prepool, axis=2)[:, None, :]  # [N,1,D]
    kv = prepool.transpose(0, 2, 1)  # [N,POOL,D]
    k_in = kv + pos_emb[None, :, :]
    q = src @ Wq.T + bq
    k = k_in @ Wk.T + bk
    v = kv @ Wv.T + bv
    qh = q.reshape(N, 1, NHEAD, HEAD_DIM).transpose(0, 2, 1, 3)
    kh = k.reshape(N, POOL, NHEAD, HEAD_DIM).transpose(0, 2, 1, 3)
    vh = v.reshape(N, POOL, NHEAD, HEAD_DIM).transpose(0, 2, 1, 3)
    logits = jnp.einsum('nhqd,nhkd->nhqk', qh, kh) / np.sqrt(HEAD_DIM)
    attn = jax.nn.softmax(logits, axis=-1)
    oh = jnp.einsum('nhqk,nhkd->nhqd', attn, vh)
    o = oh.transpose(0, 2, 1, 3).reshape(N, 1, D) @ Wo.T + bo
    out = _layernorm(o + src, ln_red_g, ln_red_b)[:, 0, :]  # [N, D]
    # PointPillarScatter3d: scatter pooled voxel features to BEV canvas
    flat = cy * W + cx
    canvas = jnp.zeros((B, H * W, D), out.dtype).at[cb, flat].set(out)
    spatial_features = canvas.transpose(0, 2, 1).reshape(B, D, H, W)
    return spatial_features


def reference(voxel_features, voxel_coords, spatial_features_img, ln_img_g, ln_img_b,
              pos_emb, Wq, bq, Wk, bk, Wv, bv, Wo, bo, ln_red_g, ln_red_b):
    return _forward(voxel_features, spatial_features_img, ln_img_g, ln_img_b, pos_emb,
                    Wq, bq, Wk, bk, Wv, bv, Wo, bo, ln_red_g, ln_red_b, voxel_coords)

if __name__ == "__main__":
    import jax
    _d = setup_inputs()
    print(jax.jit(kernel)(*tuple(_d.values())))

</pallas_src>

<mosaic_0001>
#map = affine_map<(d0, d1) -> (0)>
#map1 = affine_map<(d0, d1) -> (0, 0)>
module attributes {stable_mosaic.version = 14 : i64} {
  func.func @_sc_gather(%arg0: i32, %arg1: i32, %arg2: memref<259584xi32, #tpu.memory_space<hbm>>, %arg3: memref<100000x128xf32, #tpu.memory_space<hbm>>, %arg4: memref<259584x128xf32, #tpu.memory_space<hbm>>, %arg5: memref<8112xi32, #tpu.memory_space<vmem>>, %arg6: memref<312x128xf32, #tpu.memory_space<vmem>>, %arg7: memref<312x128xf32, #tpu.memory_space<vmem>>, %arg8: memref<!tpu.dma_semaphore, #tpu.memory_space<semaphore_mem>>, %arg9: memref<!tpu.dma_semaphore, #tpu.memory_space<semaphore_mem>>) attributes {dimension_semantics = [#tpu.dimension_semantics<core_parallel>, #tpu.dimension_semantics<subcore_parallel>], iteration_bounds = array<i64: 2, 16>, scalar_prefetch = 0 : i64, scratch_operands = 5 : i64, tpu.core_type = #tpu.core_type<sc_vector_subcore>, window_params = [{transform_indices = #map}, {transform_indices = #map1}, {transform_indices = #map1}]} {
    %mul3A = arith.constant 2 : i32
    %mul3A_0 = arith.muli %arg1, %mul3A : i32
    %add3A = arith.addi %mul3A_0, %arg0 : i32
    %mul3A_1 = arith.constant 8112 : i32
    %mul3A_2 = arith.muli %add3A, %mul3A_1 : i32
    "tpu.region"() ({
      %run_scoped3A = tpu.sem_alloc : memref<!tpu.dma_semaphore, #tpu.memory_space<semaphore_mem>>
      %dma_start3A = tpu.memref_slice %arg2[%mul3A_2] : memref<259584xi32, #tpu.memory_space<hbm>> -> memref<8112xi32, #tpu.memory_space<hbm>>
      %dma_start3A_14 = tpu.memref_slice %arg2[%mul3A_2] : memref<259584xi32, #tpu.memory_space<hbm>> -> memref<8112xi32, #tpu.memory_space<hbm>>
      tpu.enqueue_dma source(%dma_start3A_14 : memref<8112xi32, #tpu.memory_space<hbm>>) target(%arg5 : memref<8112xi32, #tpu.memory_space<vmem>>) target_semaphore(%run_scoped3A : memref<!tpu.dma_semaphore, #tpu.memory_space<semaphore_mem>>)
      %dma_wait3A = tpu.memref_slice %arg2[%mul3A_2] : memref<259584xi32, #tpu.memory_space<hbm>> -> memref<8112xi32, #tpu.memory_space<hbm>>
      %dma_wait3A_15 = tpu.memref_slice %arg2[%mul3A_2] : memref<259584xi32, #tpu.memory_space<hbm>> -> memref<8112xi32, #tpu.memory_space<hbm>>
      tpu.wait_dma2 semaphore(%run_scoped3A : memref<!tpu.dma_semaphore, #tpu.memory_space<semaphore_mem>>) src(%dma_wait3A_15 : memref<8112xi32, #tpu.memory_space<hbm>>) dst(%arg5 : memref<8112xi32, #tpu.memory_space<vmem>>)
      tpu.yield
    }) : () -> ()
    %iota3A = tpu.iota {dimensions = array<i32: 0>} : vector<16xi32>
    %scan3A = arith.constant 0 : i32
    %scan3A_3 = arith.constant 0 : i32
    %scan3A_4 = arith.constant 507 : i32
    %scan3A_5 = arith.addi %scan3A_3, %scan3A_4 : i32
    %scan3A_6 = arith.constant 1 : i32
    scf.for %scan3A_14 = %scan3A_3 to %scan3A_5 step %scan3A_6  : i32 {
      %mul3A_15 = arith.constant 16 : i32
      %mul3A_16 = arith.muli %scan3A_14, %mul3A_15 : i32
      %get3A = arith.index_cast %mul3A_16 : i32 to index
      %get3A_17 = tpu.vector_load %arg5[%get3A] {strides = array<i32>} : memref<8112xi32, #tpu.memory_space<vmem>>, vector<16xi32>,
      %mul3A_18 = arith.constant 16 : i32
      %mul3A_19 = arith.muli %scan3A_14, %mul3A_18 : i32
      %add3A_20 = arith.addi %mul3A_2, %mul3A_19 : i32
      %add3A_21 = vector.broadcast %add3A_20 : i32 to vector<16xi32>
      %add3A_22 = arith.addi %add3A_21, %iota3A : vector<16xi32>
      %ge3A = arith.constant 100000 : i32
      %ge3A_23 = vector.broadcast %ge3A : i32 to vector<16xi32>
      %ge3A_24 = arith.cmpi sge, %add3A_22, %ge3A_23 : vector<16xi32>
      %sub3A = arith.constant 100000 : i32
      %sub3A_25 = vector.broadcast %sub3A : i32 to vector<16xi32>
      %sub3A_26 = arith.subi %add3A_22, %sub3A_25 : vector<16xi32>
      %select_n3A = arith.select %ge3A_24, %sub3A_26, %add3A_22 : vector<16xi1>, vector<16xi32>
      %ge3A_27 = arith.constant 100000 : i32
      %ge3A_28 = vector.broadcast %ge3A_27 : i32 to vector<16xi32>
      %ge3A_29 = arith.cmpi sge, %select_n3A, %ge3A_28 : vector<16xi32>
      %sub3A_30 = arith.constant 100000 : i32
      %sub3A_31 = vector.broadcast %sub3A_30 : i32 to vector<16xi32>
      %sub3A_32 = arith.subi %select_n3A, %sub3A_31 : vector<16xi32>
      %select_n3A_33 = arith.select %ge3A_29, %sub3A_32, %select_n3A : vector<16xi1>, vector<16xi32>
      %lt3A = arith.constant 0 : i32
      %lt3A_34 = vector.broadcast %lt3A : i32 to vector<16xi32>
      %lt3A_35 = arith.cmpi slt, %get3A_17, %lt3A_34 : vector<16xi32>
      %select_n3A_36 = arith.select %lt3A_35, %select_n3A_33, %get3A_17 : vector<16xi1>, vector<16xi32>
      %mul3A_37 = arith.constant 16 : i32
      %mul3A_38 = arith.muli %scan3A_14, %mul3A_37 : i32
      %swap3A = arith.index_cast %mul3A_38 : i32 to index
      %swap3A_39 = tpu.vector_load %arg5[%swap3A] {strides = array<i32>} : memref<8112xi32, #tpu.memory_space<vmem>>, vector<16xi32>,
      tpu.vector_store %arg5[%swap3A], %select_n3A_36 {strides = array<i32>} : memref<8112xi32, #tpu.memory_space<vmem>>, vector<16xi32>,
    }
    %scan3A_7 = arith.constant 507 : i32
    %scan3A_8 = arith.constant 0 : i32
    %scan3A_9 = arith.constant 0 : i32
    %scan3A_10 = arith.constant 13 : i32
    %scan3A_11 = arith.addi %scan3A_9, %scan3A_10 : i32
    %scan3A_12 = arith.constant 1 : i32
    scf.for %scan3A_14 = %scan3A_9 to %scan3A_11 step %scan3A_12  : i32 {
      %mul3A_15 = arith.constant 2 : i32
      %mul3A_16 = arith.muli %mul3A_15, %scan3A_14 : i32
      %mul3A_17 = arith.constant 312 : i32
      %mul3A_18 = arith.muli %mul3A_16, %mul3A_17 : i32
      %mul3A_19 = arith.constant 2 : i32
      %mul3A_20 = arith.muli %mul3A_19, %scan3A_14 : i32
      %add3A_21 = arith.constant 1 : i32
      %add3A_22 = arith.addi %mul3A_20, %add3A_21 : i32
      %mul3A_23 = arith.constant 312 : i32
      %mul3A_24 = arith.muli %add3A_22, %mul3A_23 : i32
      %dma_start3A = tpu.memref_slice %arg5[%mul3A_18] : memref<8112xi32, #tpu.memory_space<vmem>> -> memref<312xi32, #tpu.memory_space<vmem>>
      %dma_start3A_25 = arith.constant 0 : i32
      %dma_start3A_26 = arith.constant 0 : i32
      %dma_start3A_27 = tpu.memref_slice %arg3[%dma_start3A_25, %dma_start3A_26] : memref<100000x128xf32, #tpu.memory_space<hbm>> -> memref<100000x128xf32, #tpu.memory_space<hbm>>
      tpu.enqueue_indirect_dma source(%dma_start3A_27 : memref<100000x128xf32, #tpu.memory_space<hbm>>) target(%arg6 : memref<312x128xf32, #tpu.memory_space<vmem>>) offsets(%dma_start3A : memref<312xi32, #tpu.memory_space<vmem>>) semaphore(%arg8 : memref<!tpu.dma_semaphore, #tpu.memory_space<semaphore_mem>>)
      %dma_start3A_28 = tpu.memref_slice %arg5[%mul3A_24] : memref<8112xi32, #tpu.memory_space<vmem>> -> memref<312xi32, #tpu.memory_space<vmem>>
      %dma_start3A_29 = arith.constant 0 : i32
      %dma_start3A_30 = arith.constant 0 : i32
      %dma_start3A_31 = tpu.memref_slice %arg3[%dma_start3A_29, %dma_start3A_30] : memref<100000x128xf32, #tpu.memory_space<hbm>> -> memref<100000x128xf32, #tpu.memory_space<hbm>>
      tpu.enqueue_indirect_dma source(%dma_start3A_31 : memref<100000x128xf32, #tpu.memory_space<hbm>>) target(%arg7 : memref<312x128xf32, #tpu.memory_space<vmem>>) offsets(%dma_start3A_28 : memref<312xi32, #tpu.memory_space<vmem>>) semaphore(%arg9 : memref<!tpu.dma_semaphore, #tpu.memory_space<semaphore_mem>>)
      %dma_wait3A = tpu.memref_slice %arg5[%mul3A_18] : memref<8112xi32, #tpu.memory_space<vmem>> -> memref<312xi32, #tpu.memory_space<vmem>>
      %dma_wait3A_32 = arith.constant 0 : i32
      %dma_wait3A_33 = arith.constant 0 : i32
      %dma_wait3A_34 = tpu.memref_slice %arg3[%dma_wait3A_32, %dma_wait3A_33] : memref<100000x128xf32, #tpu.memory_space<hbm>> -> memref<100000x128xf32, #tpu.memory_space<hbm>>
      tpu.wait_indirect_dma semaphore(%arg8 : memref<!tpu.dma_semaphore, #tpu.memory_space<semaphore_mem>>) src(%dma_wait3A_34 : memref<100000x128xf32, #tpu.memory_space<hbm>>) dst(%arg6 : memref<312x128xf32, #tpu.memory_space<vmem>>)
      %add3A_35 = arith.addi %mul3A_2, %mul3A_18 : i32
      "tpu.region"() ({
        %run_scoped3A = tpu.sem_alloc : memref<!tpu.dma_semaphore, #tpu.memory_space<semaphore_mem>>
        %dma_start3A_41 = arith.constant 0 : i32
        %dma_start3A_42 = tpu.memref_slice %arg4[%add3A_35, %dma_start3A_41] : memref<259584x128xf32, #tpu.memory_space<hbm>> -> memref<312x128xf32, #tpu.memory_space<hbm>>
        %dma_start3A_43 = arith.constant 0 : i32
        %dma_start3A_44 = tpu.memref_slice %arg4[%add3A_35, %dma_start3A_43] : memref<259584x128xf32, #tpu.memory_space<hbm>> -> memref<312x128xf32, #tpu.memory_space<hbm>>
        tpu.enqueue_dma source(%arg6 : memref<312x128xf32, #tpu.memory_space<vmem>>) target(%dma_start3A_44 : memref<312x128xf32, #tpu.memory_space<hbm>>) target_semaphore(%run_scoped3A : memref<!tpu.dma_semaphore, #tpu.memory_space<semaphore_mem>>)
        %dma_wait3A_45 = arith.constant 0 : i32
        %dma_wait3A_46 = tpu.memref_slice %arg4[%add3A_35, %dma_wait3A_45] : memref<259584x128xf32, #tpu.memory_space<hbm>> -> memref<312x128xf32, #tpu.memory_space<hbm>>
        %dma_wait3A_47 = arith.constant 0 : i32
        %dma_wait3A_48 = tpu.memref_slice %arg4[%add3A_35, %dma_wait3A_47] : memref<259584x128xf32, #tpu.memory_space<hbm>> -> memref<312x128xf32, #tpu.memory_space<hbm>>
        tpu.wait_dma2 semaphore(%run_scoped3A : memref<!tpu.dma_semaphore, #tpu.memory_space<semaphore_mem>>) src(%arg6 : memref<312x128xf32, #tpu.memory_space<vmem>>) dst(%dma_wait3A_48 : memref<312x128xf32, #tpu.memory_space<hbm>>)
        tpu.yield
      }) : () -> ()
      %dma_wait3A_36 = tpu.memref_slice %arg5[%mul3A_24] : memref<8112xi32, #tpu.memory_space<vmem>> -> memref<312xi32, #tpu.memory_space<vmem>>
      %dma_wait3A_37 = arith.constant 0 : i32
      %dma_wait3A_38 = arith.constant 0 : i32
      %dma_wait3A_39 = tpu.memref_slice %arg3[%dma_wait3A_37, %dma_wait3A_38] : memref<100000x128xf32, #tpu.memory_space<hbm>> -> memref<100000x128xf32, #tpu.memory_space<hbm>>
      tpu.wait_indirect_dma semaphore(%arg9 : memref<!tpu.dma_semaphore, #tpu.memory_space<semaphore_mem>>) src(%dma_wait3A_39 : memref<100000x128xf32, #tpu.memory_space<hbm>>) dst(%arg7 : memref<312x128xf32, #tpu.memory_space<vmem>>)
      %add3A_40 = arith.addi %mul3A_2, %mul3A_24 : i32
      "tpu.region"() ({
        %run_scoped3A = tpu.sem_alloc : memref<!tpu.dma_semaphore, #tpu.memory_space<semaphore_mem>>
        %dma_start3A_41 = arith.constant 0 : i32
        %dma_start3A_42 = tpu.memref_slice %arg4[%add3A_40, %dma_start3A_41] : memref<259584x128xf32, #tpu.memory_space<hbm>> -> memref<312x128xf32, #tpu.memory_space<hbm>>
        %dma_start3A_43 = arith.constant 0 : i32
        %dma_start3A_44 = tpu.memref_slice %arg4[%add3A_40, %dma_start3A_43] : memref<259584x128xf32, #tpu.memory_space<hbm>> -> memref<312x128xf32, #tpu.memory_space<hbm>>
        tpu.enqueue_dma source(%arg7 : memref<312x128xf32, #tpu.memory_space<vmem>>) target(%dma_start3A_44 : memref<312x128xf32, #tpu.memory_space<hbm>>) target_semaphore(%run_scoped3A : memref<!tpu.dma_semaphore, #tpu.memory_space<semaphore_mem>>)
        %dma_wait3A_45 = arith.constant 0 : i32
        %dma_wait3A_46 = tpu.memref_slice %arg4[%add3A_40, %dma_wait3A_45] : memref<259584x128xf32, #tpu.memory_space<hbm>> -> memref<312x128xf32, #tpu.memory_space<hbm>>
        %dma_wait3A_47 = arith.constant 0 : i32
        %dma_wait3A_48 = tpu.memref_slice %arg4[%add3A_40, %dma_wait3A_47] : memref<259584x128xf32, #tpu.memory_space<hbm>> -> memref<312x128xf32, #tpu.memory_space<hbm>>
        tpu.wait_dma2 semaphore(%run_scoped3A : memref<!tpu.dma_semaphore, #tpu.memory_space<semaphore_mem>>) src(%arg7 : memref<312x128xf32, #tpu.memory_space<vmem>>) dst(%dma_wait3A_48 : memref<312x128xf32, #tpu.memory_space<hbm>>)
        tpu.yield
      }) : () -> ()
    }
    %scan3A_13 = arith.constant 13 : i32
    return
  }
}

#map = affine_map<(d0, d1) -> (0)>
module attributes {stable_mosaic.version = 14 : i64} {
  func.func @_sc_winner(%arg0: i32, %arg1: i32, %arg2: memref<100000xi32, #tpu.memory_space<hbm>>, %arg3: memref<259584xi32, #tpu.memory_space<hbm>>, %arg4: memref<100000xi32, #tpu.memory_space<vmem>>, %arg5: memref<8112xi32, #tpu.memory_space<vmem>>) attributes {dimension_semantics = [#tpu.dimension_semantics<core_parallel>, #tpu.dimension_semantics<subcore_parallel>], iteration_bounds = array<i64: 2, 16>, scalar_prefetch = 0 : i64, scratch_operands = 2 : i64, tpu.core_type = #tpu.core_type<sc_vector_subcore>, window_params = [{transform_indices = #map}, {transform_indices = #map}]} {
    %mul3A = arith.constant 2 : i32
    %mul3A_0 = arith.muli %arg1, %mul3A : i32
    %add3A = arith.addi %mul3A_0, %arg0 : i32
    %mul3A_1 = arith.constant 8112 : i32
    %mul3A_2 = arith.muli %add3A, %mul3A_1 : i32
    "tpu.region"() ({
      %run_scoped3A = tpu.sem_alloc : memref<!tpu.dma_semaphore, #tpu.memory_space<semaphore_mem>>
      tpu.enqueue_dma source(%arg2 : memref<100000xi32, #tpu.memory_space<hbm>>) target(%arg4 : memref<100000xi32, #tpu.memory_space<vmem>>) target_semaphore(%run_scoped3A : memref<!tpu.dma_semaphore, #tpu.memory_space<semaphore_mem>>)
      tpu.wait_dma2 semaphore(%run_scoped3A : memref<!tpu.dma_semaphore, #tpu.memory_space<semaphore_mem>>) src(%arg2 : memref<100000xi32, #tpu.memory_space<hbm>>) dst(%arg4 : memref<100000xi32, #tpu.memory_space<vmem>>)
      tpu.yield
    }) : () -> ()
    %broadcast_in_dim3A = arith.constant -1 : i32
    %broadcast_in_dim3A_3 = vector.broadcast %broadcast_in_dim3A : i32 to vector<16xi32>
    %scan3A = arith.constant 0 : i32
    %scan3A_4 = arith.constant 0 : i32
    %scan3A_5 = arith.constant 507 : i32
    %scan3A_6 = arith.addi %scan3A_4, %scan3A_5 : i32
    %scan3A_7 = arith.constant 1 : i32
    scf.for %scan3A_15 = %scan3A_4 to %scan3A_6 step %scan3A_7  : i32 {
      %mul3A_16 = arith.constant 16 : i32
      %mul3A_17 = arith.muli %scan3A_15, %mul3A_16 : i32
      %swap3A = arith.index_cast %mul3A_17 : i32 to index
      %swap3A_18 = tpu.vector_load %arg5[%swap3A] {strides = array<i32>} : memref<8112xi32, #tpu.memory_space<vmem>>, vector<16xi32>,
      tpu.vector_store %arg5[%swap3A], %broadcast_in_dim3A_3 {strides = array<i32>} : memref<8112xi32, #tpu.memory_space<vmem>>, vector<16xi32>,
    }
    %scan3A_8 = arith.constant 507 : i32
    %iota3A = tpu.iota {dimensions = array<i32: 0>} : vector<16xi32>
    %scan3A_9 = arith.constant 0 : i32
    %scan3A_10 = arith.constant 0 : i32
    %scan3A_11 = arith.constant 6250 : i32
    %scan3A_12 = arith.addi %scan3A_10, %scan3A_11 : i32
    %scan3A_13 = arith.constant 1 : i32
    scf.for %scan3A_15 = %scan3A_10 to %scan3A_12 step %scan3A_13  : i32 {
      %mul3A_16 = arith.constant 16 : i32
      %mul3A_17 = arith.muli %scan3A_15, %mul3A_16 : i32
      %get3A = arith.index_cast %mul3A_17 : i32 to index
      %get3A_18 = tpu.vector_load %arg4[%get3A] {strides = array<i32>} : memref<100000xi32, #tpu.memory_space<vmem>>, vector<16xi32>,
      %sub3A = vector.broadcast %mul3A_2 : i32 to vector<16xi32>
      %sub3A_19 = arith.subi %get3A_18, %sub3A : vector<16xi32>
      %ge3A = arith.constant 0 : i32
      %ge3A_20 = vector.broadcast %ge3A : i32 to vector<16xi32>
      %ge3A_21 = arith.cmpi sge, %sub3A_19, %ge3A_20 : vector<16xi32>
      %lt3A = arith.constant 8112 : i32
      %lt3A_22 = vector.broadcast %lt3A : i32 to vector<16xi32>
      %lt3A_23 = arith.cmpi slt, %sub3A_19, %lt3A_22 : vector<16xi32>
      %and3A = arith.andi %ge3A_21, %lt3A_23 : vector<16xi1>
      %mul3A_24 = arith.constant 16 : i32
      %mul3A_25 = arith.muli %scan3A_15, %mul3A_24 : i32
      %add3A_26 = vector.broadcast %mul3A_25 : i32 to vector<16xi32>
      %add3A_27 = arith.addi %iota3A, %add3A_26 : vector<16xi32>
      tpu.vector_store_idx %arg5[%sub3A_19], %add3A_27 masked %and3A : memref<8112xi32, #tpu.memory_space<vmem>>[vector<16xi32>], vector<16xi32>, vector<16xi1>
    }
    %scan3A_14 = arith.constant 6250 : i32
    "tpu.region"() ({
      %run_scoped3A = tpu.sem_alloc : memref<!tpu.dma_semaphore, #tpu.memory_space<semaphore_mem>>
      %dma_start3A = tpu.memref_slice %arg3[%mul3A_2] : memref<259584xi32, #tpu.memory_space<hbm>> -> memref<8112xi32, #tpu.memory_space<hbm>>
      %dma_start3A_15 = tpu.memref_slice %arg3[%mul3A_2] : memref<259584xi32, #tpu.memory_space<hbm>> -> memref<8112xi32, #tpu.memory_space<hbm>>
      tpu.enqueue_dma source(%arg5 : memref<8112xi32, #tpu.memory_space<vmem>>) target(%dma_start3A_15 : memref<8112xi32, #tpu.memory_space<hbm>>) target_semaphore(%run_scoped3A : memref<!tpu.dma_semaphore, #tpu.memory_space<semaphore_mem>>)
      %dma_wait3A = tpu.memref_slice %arg3[%mul3A_2] : memref<259584xi32, #tpu.memory_space<hbm>> -> memref<8112xi32, #tpu.memory_space<hbm>>
      %dma_wait3A_16 = tpu.memref_slice %arg3[%mul3A_2] : memref<259584xi32, #tpu.memory_space<hbm>> -> memref<8112xi32, #tpu.memory_space<hbm>>
      tpu.wait_dma2 semaphore(%run_scoped3A : memref<!tpu.dma_semaphore, #tpu.memory_space<semaphore_mem>>) src(%arg5 : memref<8112xi32, #tpu.memory_space<vmem>>) dst(%dma_wait3A_16 : memref<8112xi32, #tpu.memory_space<hbm>>)
      tpu.yield
    }) : () -> ()
    return
  }
}

module attributes {stable_mosaic.version = 14 : i64} {
  func.func @_tc_body(%arg0: i32, %arg1: i32, %arg2: memref<1x256x8x360xf32, #tpu.memory_space<vmem>>, %arg3: memref<2880x128xf32, #tpu.memory_space<vmem>>, %arg4: memref<1x1x2880xi32, #tpu.memory_space<vmem>>, %arg5: memref<128x128xf32, #tpu.memory_space<vmem>>, %arg6: memref<128x128xf32, #tpu.memory_space<vmem>>, %arg7: memref<128x128xf32, #tpu.memory_space<vmem>>, %arg8: memref<128x128xf32, #tpu.memory_space<vmem>>, %arg9: memref<128x256xf32, #tpu.memory_space<vmem>>, %arg10: memref<128x256xf32, #tpu.memory_space<vmem>>, %arg11: memref<8x128xf32, #tpu.memory_space<vmem>>, %arg12: memref<128x8xf32, #tpu.memory_space<vmem>>, %arg13: memref<128x3xf32, #tpu.memory_space<vmem>>, %arg14: memref<128x1xf32, #tpu.memory_space<vmem>>, %arg15: memref<128x1xf32, #tpu.memory_space<vmem>>, %arg16: memref<128x1xf32, #tpu.memory_space<vmem>>, %arg17: memref<128x1xf32, #tpu.memory_space<vmem>>, %arg18: memref<128x1xf32, #tpu.memory_space<vmem>>, %arg19: memref<128x1xf32, #tpu.memory_space<vmem>>, %arg20: memref<128x1xf32, #tpu.memory_space<vmem>>, %arg21: memref<128x1xf32, #tpu.memory_space<vmem>>, %arg22: memref<128x1xf32, #tpu.memory_space<vmem>>, %arg23: memref<1x256xf32, #tpu.memory_space<vmem>>, %arg24: memref<1x128xf32, #tpu.memory_space<vmem>>, %arg25: memref<1x128x8x360xf32, #tpu.memory_space<vmem>>) attributes {dimension_semantics = [#tpu.dimension_semantics<arbitrary>, #tpu.dimension_semantics<arbitrary>], iteration_bounds = array<i64: 2, 45>, scalar_prefetch = 0 : i64, scratch_operands = 0 : i64, tpu.core_type = #tpu.core_type<tc>, window_params = [{transform_indices = @transform_0, window_bounds = array<i64: 1, 256, 8, 360>}, {transform_indices = @transform_1, window_bounds = array<i64: 2880, 128>}, {transform_indices = @transform_2, window_bounds = array<i64: 1, 1, 2880>}, {pipeline_mode = #tpu.pipeline_mode<synchronous>, transform_indices = @transform_3, window_bounds = array<i64: 128, 128>}, {pipeline_mode = #tpu.pipeline_mode<synchronous>, transform_indices = @transform_4, window_bounds = array<i64: 128, 128>}, {pipeline_mode = #tpu.pipeline_mode<synchronous>, transform_indices = @transform_5, window_bounds = array<i64: 128, 128>}, {pipeline_mode = #tpu.pipeline_mode<synchronous>, transform_indices = @transform_6, window_bounds = array<i64: 128, 128>}, {pipeline_mode = #tpu.pipeline_mode<synchronous>, transform_indices = @transform_7, window_bounds = array<i64: 128, 256>}, {pipeline_mode = #tpu.pipeline_mode<synchronous>, transform_indices = @transform_8, window_bounds = array<i64: 128, 256>}, {pipeline_mode = #tpu.pipeline_mode<synchronous>, transform_indices = @transform_9, window_bounds = array<i64: 8, 128>}, {pipeline_mode = #tpu.pipeline_mode<synchronous>, transform_indices = @transform_10, window_bounds = array<i64: 128, 8>}, {pipeline_mode = #tpu.pipeline_mode<synchronous>, transform_indices = @transform_11, window_bounds = array<i64: 128, 3>}, {pipeline_mode = #tpu.pipeline_mode<synchronous>, transform_indices = @transform_12, window_bounds = array<i64: 128, 1>}, {pipeline_mode = #tpu.pipeline_mode<synchronous>, transform_indices = @transform_13, window_bounds = array<i64: 128, 1>}, {pipeline_mode = #tpu.pipeline_mode<synchronous>, transform_indices = @transform_14, window_bounds = array<i64: 128, 1>}, {pipeline_mode = #tpu.pipeline_mode<synchronous>, transform_indices = @transform_15, window_bounds = array<i64: 128, 1>}, {pipeline_mode = #tpu.pipeline_mode<synchronous>, transform_indices = @transform_16, window_bounds = array<i64: 128, 1>}, {pipeline_mode = #tpu.pipeline_mode<synchronous>, transform_indices = @transform_17, window_bounds = array<i64: 128, 1>}, {pipeline_mode = #tpu.pipeline_mode<synchronous>, transform_indices = @transform_18, window_bounds = array<i64: 128, 1>}, {pipeline_mode = #tpu.pipeline_mode<synchronous>, transform_indices = @transform_19, window_bounds = array<i64: 128, 1>}, {pipeline_mode = #tpu.pipeline_mode<synchronous>, transform_indices = @transform_20, window_bounds = array<i64: 128, 1>}, {pipeline_mode = #tpu.pipeline_mode<synchronous>, transform_indices = @transform_21, window_bounds = array<i64: 1, 256>}, {pipeline_mode = #tpu.pipeline_mode<synchronous>, transform_indices = @transform_22, window_bounds = array<i64: 1, 128>}, {transform_indices = @transform_23, window_bounds = array<i64: 1, 128, 8, 360>}]} {
    %get3A = arith.constant 0 : index
    %get3A_0 = arith.constant 0 : index
    %get3A_1 = vector.load %arg5[%get3A, %get3A_0] : memref<128x128xf32, #tpu.memory_space<vmem>>, vector<128x128xf32>
    %get3A_2 = arith.constant 0 : index
    %get3A_3 = arith.constant 0 : index
    %get3A_4 = vector.load %arg6[%get3A_2, %get3A_3] : memref<128x128xf32, #tpu.memory_space<vmem>>, vector<128x128xf32>
    %get3A_5 = arith.constant 0 : index
    %get3A_6 = arith.constant 0 : index
    %get3A_7 = vector.load %arg7[%get3A_5, %get3A_6] : memref<128x128xf32, #tpu.memory_space<vmem>>, vector<128x128xf32>
    %get3A_8 = arith.constant 0 : index
    %get3A_9 = arith.constant 0 : index
    %get3A_10 = vector.load %arg8[%get3A_8, %get3A_9] : memref<128x128xf32, #tpu.memory_space<vmem>>, vector<128x128xf32>
    %get3A_11 = arith.constant 0 : index
    %get3A_12 = arith.constant 0 : index
    %get3A_13 = vector.load %arg9[%get3A_11, %get3A_12] : memref<128x256xf32, #tpu.memory_space<vmem>>, vector<128x256xf32>
    %get3A_14 = arith.constant 0 : index
    %get3A_15 = arith.constant 0 : index
    %get3A_16 = vector.load %arg10[%get3A_14, %get3A_15] : memref<128x256xf32, #tpu.memory_space<vmem>>, vector<128x256xf32>
    %get3A_17 = arith.constant 0 : index
    %get3A_18 = arith.constant 0 : index
    %get3A_19 = vector.load %arg11[%get3A_17, %get3A_18] : memref<8x128xf32, #tpu.memory_space<vmem>>, vector<8x128xf32>
    %get3A_20 = arith.constant 0 : index
    %get3A_21 = arith.constant 0 : index
    %get3A_22 = vector.load %arg12[%get3A_20, %get3A_21] : memref<128x8xf32, #tpu.memory_space<vmem>>, vector<128x8xf32>
    %get3A_23 = arith.constant 0 : index
    %get3A_24 = arith.constant 0 : index
    %get3A_25 = vector.load %arg13[%get3A_23, %get3A_24] : memref<128x3xf32, #tpu.memory_space<vmem>>, vector<128x3xf32>
    %get3A_26 = arith.constant 0 : index
    %get3A_27 = arith.constant 0 : index
    %get3A_28 = vector.load %arg14[%get3A_26, %get3A_27] : memref<128x1xf32, #tpu.memory_space<vmem>>, vector<128x1xf32>
    %get3A_29 = arith.constant 0 : index
    %get3A_30 = arith.constant 0 : index
    %get3A_31 = vector.load %arg15[%get3A_29, %get3A_30] : memref<128x1xf32, #tpu.memory_space<vmem>>, vector<128x1xf32>
    %get3A_32 = arith.constant 0 : index
    %get3A_33 = arith.constant 0 : index
    %get3A_34 = vector.load %arg16[%get3A_32, %get3A_33] : memref<128x1xf32, #tpu.memory_space<vmem>>, vector<128x1xf32>
    %get3A_35 = arith.constant 0 : index
    %get3A_36 = arith.constant 0 : index
    %get3A_37 = vector.load %arg17[%get3A_35, %get3A_36] : memref<128x1xf32, #tpu.memory_space<vmem>>, vector<128x1xf32>
    %get3A_38 = arith.constant 0 : index
    %get3A_39 = arith.constant 0 : index
    %get3A_40 = vector.load %arg18[%get3A_38, %get3A_39] : memref<128x1xf32, #tpu.memory_space<vmem>>, vector<128x1xf32>
    %get3A_41 = arith.constant 0 : index
    %get3A_42 = arith.constant 0 : index
    %get3A_43 = vector.load %arg19[%get3A_41, %get3A_42] : memref<128x1xf32, #tpu.memory_space<vmem>>, vector<128x1xf32>
    %get3A_44 = arith.constant 0 : index
    %get3A_45 = arith.constant 0 : index
    %get3A_46 = vector.load %arg20[%get3A_44, %get3A_45] : memref<128x1xf32, #tpu.memory_space<vmem>>, vector<128x1xf32>
    %get3A_47 = arith.constant 0 : index
    %get3A_48 = arith.constant 0 : index
    %get3A_49 = vector.load %arg21[%get3A_47, %get3A_48] : memref<128x1xf32, #tpu.memory_space<vmem>>, vector<128x1xf32>
    %get3A_50 = arith.constant 0 : index
    %get3A_51 = arith.constant 0 : index
    %get3A_52 = vector.load %arg22[%get3A_50, %get3A_51] : memref<128x1xf32, #tpu.memory_space<vmem>>, vector<128x1xf32>
    %get3A_53 = arith.constant 0 : index
    %get3A_54 = arith.constant 0 : index
    %get3A_55 = vector.load %arg23[%get3A_53, %get3A_54] : memref<1x256xf32, #tpu.memory_space<vmem>>, vector<1x256xf32>
    %get3A_56 = arith.constant 0 : index
    %get3A_57 = arith.constant 0 : index
    %get3A_58 = vector.load %arg24[%get3A_56, %get3A_57] : memref<1x128xf32, #tpu.memory_space<vmem>>, vector<1x128xf32>
    %get3A_59 = arith.constant 0 : index
    %get3A_60 = arith.constant 0 : index
    %get3A_61 = arith.constant 0 : index
    %get3A_62 = arith.constant 0 : index
    %get3A_63 = vector.load %arg2[%get3A_59, %get3A_60, %get3A_61, %get3A_62] : memref<1x256x8x360xf32, #tpu.memory_space<vmem>>, vector<1x256x8x360xf32>
    %get3A_64 = vector.shape_cast %get3A_63 : vector<1x256x8x360xf32> to vector<256x8x360xf32>
    %reshape3A = vector.shape_cast %get3A_64 : vector<256x8x360xf32> to vector<256x2880xf32>
    %dot_general3A = arith.constant dense<0.000000e+00> : vector<1x2880xf32>
    %dot_general3A_65 = tpu.matmul %get3A_55, %reshape3A, %dot_general3A {dimension_numbers = #tpu.dot_dimension_numbers<[1], [0], [0], [1], [0, 0, 1, 1], [], []>, transpose_lhs_hint = false} : vector<1x256xf32>, vector<256x2880xf32>, vector<1x2880xf32> -> vector<1x2880xf32>
    %mul3A = arith.mulf %reshape3A, %reshape3A : vector<256x2880xf32>
    %dot_general3A_66 = arith.constant dense<0.000000e+00> : vector<1x2880xf32>
    %dot_general3A_67 = tpu.matmul %get3A_55, %mul3A, %dot_general3A_66 {dimension_numbers = #tpu.dot_dimension_numbers<[1], [0], [0], [1], [0, 0, 1, 1], [], []>, transpose_lhs_hint = false} : vector<1x256xf32>, vector<256x2880xf32>, vector<1x2880xf32> -> vector<1x2880xf32>
    %mul3A_68 = arith.mulf %dot_general3A_65, %dot_general3A_65 : vector<1x2880xf32>
    %sub3A = arith.subf %dot_general3A_67, %mul3A_68 : vector<1x2880xf32>
    %add3A = arith.constant 9.99999974E-6 : f32
    %add3A_69 = vector.broadcast %add3A : f32 to vector<1x2880xf32>
    %add3A_70 = arith.addf %sub3A, %add3A_69 : vector<1x2880xf32>
    %rsqrt3A = math.rsqrt %add3A_70 : vector<1x2880xf32>
    %get3A_71 = arith.constant 0 : index
    %get3A_72 = arith.constant 0 : index
    %get3A_73 = vector.load %arg3[%get3A_71, %get3A_72] : memref<2880x128xf32, #tpu.memory_space<vmem>>, vector<2880x128xf32>
    %transpose3A = tpu.transpose %get3A_73, [1, 0] : vector<2880x128xf32> -> vector<128x2880xf32>
    %dot_general3A_74 = arith.constant dense<0.000000e+00> : vector<128x2880xf32>
    %dot_general3A_75 = tpu.matmul %get3A_13, %reshape3A, %dot_general3A_74 {dimension_numbers = #tpu.dot_dimension_numbers<[1], [0], [0], [1], [0, 0, 1, 1], [], []>, transpose_lhs_hint = false} : vector<128x256xf32>, vector<256x2880xf32>, vector<128x2880xf32> -> vector<128x2880xf32>
    %mul3A_76 = vector.broadcast %get3A_37 : vector<128x1xf32> to vector<128x2880xf32>
    %mul3A_77 = vector.broadcast %dot_general3A_65 : vector<1x2880xf32> to vector<128x2880xf32>
    %mul3A_78 = arith.mulf %mul3A_76, %mul3A_77 : vector<128x2880xf32>
    %sub3A_79 = arith.subf %dot_general3A_75, %mul3A_78 : vector<128x2880xf32>
    %mul3A_80 = vector.broadcast %rsqrt3A : vector<1x2880xf32> to vector<128x2880xf32>
    %mul3A_81 = arith.mulf %sub3A_79, %mul3A_80 : vector<128x2880xf32>
    %add3A_82 = vector.broadcast %get3A_43 : vector<128x1xf32> to vector<128x2880xf32>
    %add3A_83 = arith.addf %mul3A_81, %add3A_82 : vector<128x2880xf32>
    %dot_general3A_84 = arith.constant dense<0.000000e+00> : vector<128x2880xf32>
    %dot_general3A_85 = tpu.matmul %get3A_16, %reshape3A, %dot_general3A_84 {dimension_numbers = #tpu.dot_dimension_numbers<[1], [0], [0], [1], [0, 0, 1, 1], [], []>, transpose_lhs_hint = false} : vector<128x256xf32>, vector<256x2880xf32>, vector<128x2880xf32> -> vector<128x2880xf32>
    %mul3A_86 = vector.broadcast %get3A_40 : vector<128x1xf32> to vector<128x2880xf32>
    %mul3A_87 = vector.broadcast %dot_general3A_65 : vector<1x2880xf32> to vector<128x2880xf32>
    %mul3A_88 = arith.mulf %mul3A_86, %mul3A_87 : vector<128x2880xf32>
    %sub3A_89 = arith.subf %dot_general3A_85, %mul3A_88 : vector<128x2880xf32>
    %mul3A_90 = vector.broadcast %rsqrt3A : vector<1x2880xf32> to vector<128x2880xf32>
    %mul3A_91 = arith.mulf %sub3A_89, %mul3A_90 : vector<128x2880xf32>
    %add3A_92 = vector.broadcast %get3A_46 : vector<128x1xf32> to vector<128x2880xf32>
    %add3A_93 = arith.addf %mul3A_91, %add3A_92 : vector<128x2880xf32>
    %max3A = arith.maximumf %add3A_83, %add3A_93 : vector<128x2880xf32>
    %max3A_94 = arith.maximumf %transpose3A, %max3A : vector<128x2880xf32>
    %dot_general3A_95 = arith.constant dense<0.000000e+00> : vector<128x2880xf32>
    %dot_general3A_96 = tpu.matmul %get3A_1, %max3A_94, %dot_general3A_95 {dimension_numbers = #tpu.dot_dimension_numbers<[1], [0], [0], [1], [0, 0, 1, 1], [], []>, transpose_lhs_hint = false} : vector<128x128xf32>, vector<128x2880xf32>, vector<128x2880xf32> -> vector<128x2880xf32>
    %add3A_97 = vector.broadcast %get3A_28 : vector<128x1xf32> to vector<128x2880xf32>
    %add3A_98 = arith.addf %dot_general3A_96, %add3A_97 : vector<128x2880xf32>
    %dot_general3A_99 = arith.constant dense<0.000000e+00> : vector<128x2880xf32>
    %dot_general3A_100 = tpu.matmul %get3A_4, %transpose3A, %dot_general3A_99 {dimension_numbers = #tpu.dot_dimension_numbers<[1], [0], [0], [1], [0, 0, 1, 1], [], []>, transpose_lhs_hint = false} : vector<128x128xf32>, vector<128x2880xf32>, vector<128x2880xf32> -> vector<128x2880xf32>
    %slice3A = vector.extract_strided_slice %get3A_25 {offsets = [0, 0], sizes = [128, 1], strides = [1, 1]} : vector<128x3xf32> to vector<128x1xf32>
    %add3A_101 = vector.broadcast %slice3A : vector<128x1xf32> to vector<128x2880xf32>
    %add3A_102 = arith.addf %dot_general3A_100, %add3A_101 : vector<128x2880xf32>
    %dot_general3A_103 = arith.constant dense<0.000000e+00> : vector<128x2880xf32>
    %dot_general3A_104 = tpu.matmul %get3A_7, %transpose3A, %dot_general3A_103 {dimension_numbers = #tpu.dot_dimension_numbers<[1], [0], [0], [1], [0, 0, 1, 1], [], []>, transpose_lhs_hint = false} : vector<128x128xf32>, vector<128x2880xf32>, vector<128x2880xf32> -> vector<128x2880xf32>
    %add3A_105 = vector.broadcast %get3A_31 : vector<128x1xf32> to vector<128x2880xf32>
    %add3A_106 = arith.addf %dot_general3A_104, %add3A_105 : vector<128x2880xf32>
    %mul3A_107 = arith.mulf %add3A_98, %add3A_102 : vector<128x2880xf32>
    %dot_general3A_108 = arith.constant dense<0.000000e+00> : vector<8x2880xf32>
    %dot_general3A_109 = tpu.matmul %get3A_19, %mul3A_107, %dot_general3A_108 {dimension_numbers = #tpu.dot_dimension_numbers<[1], [0], [0], [1], [0, 0, 1, 1], [], []>, transpose_lhs_hint = false} : vector<8x128xf32>, vector<128x2880xf32>, vector<8x2880xf32> -> vector<8x2880xf32>
    %mul3A_110 = arith.constant 2.500000e-01 : f32
    %mul3A_111 = vector.broadcast %mul3A_110 : f32 to vector<8x2880xf32>
    %mul3A_112 = arith.mulf %dot_general3A_109, %mul3A_111 : vector<8x2880xf32>
    %dot_general3A_113 = arith.constant dense<0.000000e+00> : vector<128x2880xf32>
    %dot_general3A_114 = tpu.matmul %get3A_4, %add3A_83, %dot_general3A_113 {dimension_numbers = #tpu.dot_dimension_numbers<[1], [0], [0], [1], [0, 0, 1, 1], [], []>, transpose_lhs_hint = false} : vector<128x128xf32>, vector<128x2880xf32>, vector<128x2880xf32> -> vector<128x2880xf32>
    %slice3A_115 = vector.extract_strided_slice %get3A_25 {offsets = [0, 1], sizes = [128, 1], strides = [1, 1]} : vector<128x3xf32> to vector<128x1xf32>
    %add3A_116 = vector.broadcast %slice3A_115 : vector<128x1xf32> to vector<128x2880xf32>
    %add3A_117 = arith.addf %dot_general3A_114, %add3A_116 : vector<128x2880xf32>
    %dot_general3A_118 = arith.constant dense<0.000000e+00> : vector<128x2880xf32>
    %dot_general3A_119 = tpu.matmul %get3A_7, %add3A_83, %dot_general3A_118 {dimension_numbers = #tpu.dot_dimension_numbers<[1], [0], [0], [1], [0, 0, 1, 1], [], []>, transpose_lhs_hint = false} : vector<128x128xf32>, vector<128x2880xf32>, vector<128x2880xf32> -> vector<128x2880xf32>
    %add3A_120 = vector.broadcast %get3A_31 : vector<128x1xf32> to vector<128x2880xf32>
    %add3A_121 = arith.addf %dot_general3A_119, %add3A_120 : vector<128x2880xf32>
    %mul3A_122 = arith.mulf %add3A_98, %add3A_117 : vector<128x2880xf32>
    %dot_general3A_123 = arith.constant dense<0.000000e+00> : vector<8x2880xf32>
    %dot_general3A_124 = tpu.matmul %get3A_19, %mul3A_122, %dot_general3A_123 {dimension_numbers = #tpu.dot_dimension_numbers<[1], [0], [0], [1], [0, 0, 1, 1], [], []>, transpose_lhs_hint = false} : vector<8x128xf32>, vector<128x2880xf32>, vector<8x2880xf32> -> vector<8x2880xf32>
    %mul3A_125 = arith.constant 2.500000e-01 : f32
    %mul3A_126 = vector.broadcast %mul3A_125 : f32 to vector<8x2880xf32>
    %mul3A_127 = arith.mulf %dot_general3A_124, %mul3A_126 : vector<8x2880xf32>
    %dot_general3A_128 = arith.constant dense<0.000000e+00> : vector<128x2880xf32>
    %dot_general3A_129 = tpu.matmul %get3A_4, %add3A_93, %dot_general3A_128 {dimension_numbers = #tpu.dot_dimension_numbers<[1], [0], [0], [1], [0, 0, 1, 1], [], []>, transpose_lhs_hint = false} : vector<128x128xf32>, vector<128x2880xf32>, vector<128x2880xf32> -> vector<128x2880xf32>
    %slice3A_130 = vector.extract_strided_slice %get3A_25 {offsets = [0, 2], sizes = [128, 1], strides = [1, 1]} : vector<128x3xf32> to vector<128x1xf32>
    %add3A_131 = vector.broadcast %slice3A_130 : vector<128x1xf32> to vector<128x2880xf32>
    %add3A_132 = arith.addf %dot_general3A_129, %add3A_131 : vector<128x2880xf32>
    %dot_general3A_133 = arith.constant dense<0.000000e+00> : vector<128x2880xf32>
    %dot_general3A_134 = tpu.matmul %get3A_7, %add3A_93, %dot_general3A_133 {dimension_numbers = #tpu.dot_dimension_numbers<[1], [0], [0], [1], [0, 0, 1, 1], [], []>, transpose_lhs_hint = false} : vector<128x128xf32>, vector<128x2880xf32>, vector<128x2880xf32> -> vector<128x2880xf32>
    %add3A_135 = vector.broadcast %get3A_31 : vector<128x1xf32> to vector<128x2880xf32>
    %add3A_136 = arith.addf %dot_general3A_134, %add3A_135 : vector<128x2880xf32>
    %mul3A_137 = arith.mulf %add3A_98, %add3A_132 : vector<128x2880xf32>
    %dot_general3A_138 = arith.constant dense<0.000000e+00> : vector<8x2880xf32>
    %dot_general3A_139 = tpu.matmul %get3A_19, %mul3A_137, %dot_general3A_138 {dimension_numbers = #tpu.dot_dimension_numbers<[1], [0], [0], [1], [0, 0, 1, 1], [], []>, transpose_lhs_hint = false} : vector<8x128xf32>, vector<128x2880xf32>, vector<8x2880xf32> -> vector<8x2880xf32>
    %mul3A_140 = arith.constant 2.500000e-01 : f32
    %mul3A_141 = vector.broadcast %mul3A_140 : f32 to vector<8x2880xf32>
    %mul3A_142 = arith.mulf %dot_general3A_139, %mul3A_141 : vector<8x2880xf32>
    %max3A_143 = arith.maximumf %mul3A_127, %mul3A_142 : vector<8x2880xf32>
    %max3A_144 = arith.maximumf %mul3A_112, %max3A_143 : vector<8x2880xf32>
    %sub3A_145 = arith.subf %mul3A_112, %max3A_144 : vector<8x2880xf32>
    %exp3A = math.exp %sub3A_145 : vector<8x2880xf32>
    %sub3A_146 = arith.subf %mul3A_127, %max3A_144 : vector<8x2880xf32>
    %exp3A_147 = math.exp %sub3A_146 : vector<8x2880xf32>
    %sub3A_148 = arith.subf %mul3A_142, %max3A_144 : vector<8x2880xf32>
    %exp3A_149 = math.exp %sub3A_148 : vector<8x2880xf32>
    %add3A_150 = arith.addf %exp3A, %exp3A_147 : vector<8x2880xf32>
    %add3A_151 = arith.addf %add3A_150, %exp3A_149 : vector<8x2880xf32>
    %div3A = arith.constant 1.000000e+00 : f32
    %div3A_152 = vector.broadcast %div3A : f32 to vector<8x2880xf32>
    %div3A_153 = arith.divf %div3A_152, %add3A_151 : vector<8x2880xf32>
    %mul3A_154 = arith.mulf %exp3A, %div3A_153 : vector<8x2880xf32>
    %dot_general3A_155 = arith.constant dense<0.000000e+00> : vector<128x2880xf32>
    %dot_general3A_156 = tpu.matmul %get3A_22, %mul3A_154, %dot_general3A_155 {dimension_numbers = #tpu.dot_dimension_numbers<[1], [0], [0], [1], [0, 0, 1, 1], [], []>, transpose_lhs_hint = false} : vector<128x8xf32>, vector<8x2880xf32>, vector<128x2880xf32> -> vector<128x2880xf32>
    %mul3A_157 = arith.mulf %dot_general3A_156, %add3A_106 : vector<128x2880xf32>
    %mul3A_158 = arith.mulf %exp3A_147, %div3A_153 : vector<8x2880xf32>
    %dot_general3A_159 = arith.constant dense<0.000000e+00> : vector<128x2880xf32>
    %dot_general3A_160 = tpu.matmul %get3A_22, %mul3A_158, %dot_general3A_159 {dimension_numbers = #tpu.dot_dimension_numbers<[1], [0], [0], [1], [0, 0, 1, 1], [], []>, transpose_lhs_hint = false} : vector<128x8xf32>, vector<8x2880xf32>, vector<128x2880xf32> -> vector<128x2880xf32>
    %mul3A_161 = arith.mulf %dot_general3A_160, %add3A_121 : vector<128x2880xf32>
    %add3A_162 = arith.addf %mul3A_157, %mul3A_161 : vector<128x2880xf32>
    %mul3A_163 = arith.mulf %exp3A_149, %div3A_153 : vector<8x2880xf32>
    %dot_general3A_164 = arith.constant dense<0.000000e+00> : vector<128x2880xf32>
    %dot_general3A_165 = tpu.matmul %get3A_22, %mul3A_163, %dot_general3A_164 {dimension_numbers = #tpu.dot_dimension_numbers<[1], [0], [0], [1], [0, 0, 1, 1], [], []>, transpose_lhs_hint = false} : vector<128x8xf32>, vector<8x2880xf32>, vector<128x2880xf32> -> vector<128x2880xf32>
    %mul3A_166 = arith.mulf %dot_general3A_165, %add3A_136 : vector<128x2880xf32>
    %add3A_167 = arith.addf %add3A_162, %mul3A_166 : vector<128x2880xf32>
    %dot_general3A_168 = arith.constant dense<0.000000e+00> : vector<128x2880xf32>
    %dot_general3A_169 = tpu.matmul %get3A_10, %add3A_167, %dot_general3A_168 {dimension_numbers = #tpu.dot_dimension_numbers<[1], [0], [0], [1], [0, 0, 1, 1], [], []>, transpose_lhs_hint = false} : vector<128x128xf32>, vector<128x2880xf32>, vector<128x2880xf32> -> vector<128x2880xf32>
    %add3A_170 = vector.broadcast %get3A_34 : vector<128x1xf32> to vector<128x2880xf32>
    %add3A_171 = arith.addf %dot_general3A_169, %add3A_170 : vector<128x2880xf32>
    %add3A_172 = arith.addf %add3A_171, %max3A_94 : vector<128x2880xf32>
    %dot_general3A_173 = arith.constant dense<0.000000e+00> : vector<1x2880xf32>
    %dot_general3A_174 = tpu.matmul %get3A_58, %add3A_172, %dot_general3A_173 {dimension_numbers = #tpu.dot_dimension_numbers<[1], [0], [0], [1], [0, 0, 1, 1], [], []>, transpose_lhs_hint = false} : vector<1x128xf32>, vector<128x2880xf32>, vector<1x2880xf32> -> vector<1x2880xf32>
    %mul3A_175 = arith.mulf %add3A_172, %add3A_172 : vector<128x2880xf32>
    %dot_general3A_176 = arith.constant dense<0.000000e+00> : vector<1x2880xf32>
    %dot_general3A_177 = tpu.matmul %get3A_58, %mul3A_175, %dot_general3A_176 {dimension_numbers = #tpu.dot_dimension_numbers<[1], [0], [0], [1], [0, 0, 1, 1], [], []>, transpose_lhs_hint = false} : vector<1x128xf32>, vector<128x2880xf32>, vector<1x2880xf32> -> vector<1x2880xf32>
    %sub3A_178 = vector.broadcast %dot_general3A_174 : vector<1x2880xf32> to vector<128x2880xf32>
    %sub3A_179 = arith.subf %add3A_172, %sub3A_178 : vector<128x2880xf32>
    %mul3A_180 = arith.mulf %dot_general3A_174, %dot_general3A_174 : vector<1x2880xf32>
    %sub3A_181 = arith.subf %dot_general3A_177, %mul3A_180 : vector<1x2880xf32>
    %add3A_182 = arith.constant 9.99999974E-6 : f32
    %add3A_183 = vector.broadcast %add3A_182 : f32 to vector<1x2880xf32>
    %add3A_184 = arith.addf %sub3A_181, %add3A_183 : vector<1x2880xf32>
    %rsqrt3A_185 = math.rsqrt %add3A_184 : vector<1x2880xf32>
    %mul3A_186 = vector.broadcast %rsqrt3A_185 : vector<1x2880xf32> to vector<128x2880xf32>
    %mul3A_187 = arith.mulf %sub3A_179, %mul3A_186 : vector<128x2880xf32>
    %mul3A_188 = vector.broadcast %get3A_49 : vector<128x1xf32> to vector<128x2880xf32>
    %mul3A_189 = arith.mulf %mul3A_187, %mul3A_188 : vector<128x2880xf32>
    %add3A_190 = vector.broadcast %get3A_52 : vector<128x1xf32> to vector<128x2880xf32>
    %add3A_191 = arith.addf %mul3A_189, %add3A_190 : vector<128x2880xf32>
    %get3A_192 = arith.constant 0 : index
    %get3A_193 = arith.constant 0 : index
    %get3A_194 = arith.constant 0 : index
    %get3A_195 = vector.load %arg4[%get3A_192, %get3A_193, %get3A_194] : memref<1x1x2880xi32, #tpu.memory_space<vmem>>, vector<1x1x2880xi32>
    %get3A_196 = vector.shape_cast %get3A_195 : vector<1x1x2880xi32> to vector<1x2880xi32>
    %ge3A = arith.constant 0 : i32
    %ge3A_197 = vector.broadcast %ge3A : i32 to vector<1x2880xi32>
    %ge3A_198 = arith.cmpi sge, %get3A_196, %ge3A_197 : vector<1x2880xi32>
    %jit3A = arith.constant 0.000000e+00 : f32
    %broadcast_in_dim3A = vector.shape_cast %ge3A_198 : vector<1x2880xi1> to vector<1x2880xi1>
    %broadcast_in_dim3A_199 = vector.broadcast %broadcast_in_dim3A : vector<1x2880xi1> to vector<128x2880xi1>
    %broadcast_in_dim3A_200 = vector.broadcast %jit3A : f32 to vector<128x2880xf32>
    %select_n3A = arith.select %broadcast_in_dim3A_199, %add3A_191, %broadcast_in_dim3A_200 : vector<128x2880xi1>, vector<128x2880xf32>
    %reshape3A_201 = vector.shape_cast %select_n3A : vector<128x2880xf32> to vector<128x8x360xf32>
    %swap3A = arith.constant 0 : index
    %swap3A_202 = arith.constant 0 : index
    %swap3A_203 = arith.constant 0 : index
    %swap3A_204 = arith.constant 0 : index
    %swap3A_205 = vector.load %arg25[%swap3A, %swap3A_202, %swap3A_203, %swap3A_204] : memref<1x128x8x360xf32, #tpu.memory_space<vmem>>, vector<1x128x8x360xf32>
    %swap3A_206 = vector.shape_cast %swap3A_205 : vector<1x128x8x360xf32> to vector<128x8x360xf32>
    %swap3A_207 = vector.shape_cast %reshape3A_201 : vector<128x8x360xf32> to vector<1x128x8x360xf32>
    tpu.vector_store %arg25[%swap3A, %swap3A_202, %swap3A_203, %swap3A_204], %swap3A_207 {strides = array<i32>} : memref<1x128x8x360xf32, #tpu.memory_space<vmem>>, vector<1x128x8x360xf32>,
    return
  }
  func.func @transform_0(%arg0: i32, %arg1: i32) -> (i32, i32, i32, i32) {
    %c0_i32 = arith.constant 0 : i32
    %c0_i32_0 = arith.constant 0 : i32
    %c0_i32_1 = arith.constant 0 : i32
    return %arg0, %c0_i32, %arg1, %c0_i32_0 : i32, i32, i32, i32
  }
  func.func @transform_1(%arg0: i32, %arg1: i32) -> (i32, i32) {
    %mul3A = arith.constant 45 : i32
    %mul3A_0 = arith.muli %arg0, %mul3A : i32
    %add3A = arith.addi %mul3A_0, %arg1 : i32
    %c0_i32 = arith.constant 0 : i32
    %c0_i32_1 = arith.constant 0 : i32
    return %add3A, %c0_i32 : i32, i32
  }
  func.func @transform_2(%arg0: i32, %arg1: i32) -> (i32, i32, i32) {
    %mul3A = arith.constant 45 : i32
    %mul3A_0 = arith.muli %arg0, %mul3A : i32
    %add3A = arith.addi %mul3A_0, %arg1 : i32
    %c0_i32 = arith.constant 0 : i32
    %c0_i32_1 = arith.constant 0 : i32
    %c0_i32_2 = arith.constant 0 : i32
    return %add3A, %c0_i32, %c0_i32_1 : i32, i32, i32
  }
  func.func @transform_3(%arg0: i32, %arg1: i32) -> (i32, i32) {
    %c0_i32 = arith.constant 0 : i32
    %c0_i32_0 = arith.constant 0 : i32
    %c0_i32_1 = arith.constant 0 : i32
    return %c0_i32, %c0_i32_0 : i32, i32
  }
  func.func @transform_4(%arg0: i32, %arg1: i32) -> (i32, i32) {
    %c0_i32 = arith.constant 0 : i32
    %c0_i32_0 = arith.constant 0 : i32
    %c0_i32_1 = arith.constant 0 : i32
    return %c0_i32, %c0_i32_0 : i32, i32
  }
  func.func @transform_5(%arg0: i32, %arg1: i32) -> (i32, i32) {
    %c0_i32 = arith.constant 0 : i32
    %c0_i32_0 = arith.constant 0 : i32
    %c0_i32_1 = arith.constant 0 : i32
    return %c0_i32, %c0_i32_0 : i32, i32
  }
  func.func @transform_6(%arg0: i32, %arg1: i32) -> (i32, i32) {
    %c0_i32 = arith.constant 0 : i32
    %c0_i32_0 = arith.constant 0 : i32
    %c0_i32_1 = arith.constant 0 : i32
    return %c0_i32, %c0_i32_0 : i32, i32
  }
  func.func @transform_7(%arg0: i32, %arg1: i32) -> (i32, i32) {
    %c0_i32 = arith.constant 0 : i32
    %c0_i32_0 = arith.constant 0 : i32
    %c0_i32_1 = arith.constant 0 : i32
    return %c0_i32, %c0_i32_0 : i32, i32
  }
  func.func @transform_8(%arg0: i32, %arg1: i32) -> (i32, i32) {
    %c0_i32 = arith.constant 0 : i32
    %c0_i32_0 = arith.constant 0 : i32
    %c0_i32_1 = arith.constant 0 : i32
    return %c0_i32, %c0_i32_0 : i32, i32
  }
  func.func @transform_9(%arg0: i32, %arg1: i32) -> (i32, i32) {
    %c0_i32 = arith.constant 0 : i32
    %c0_i32_0 = arith.constant 0 : i32
    %c0_i32_1 = arith.constant 0 : i32
    return %c0_i32, %c0_i32_0 : i32, i32
  }
  func.func @transform_10(%arg0: i32, %arg1: i32) -> (i32, i32) {
    %c0_i32 = arith.constant 0 : i32
    %c0_i32_0 = arith.constant 0 : i32
    %c0_i32_1 = arith.constant 0 : i32
    return %c0_i32, %c0_i32_0 : i32, i32
  }
  func.func @transform_11(%arg0: i32, %arg1: i32) -> (i32, i32) {
    %c0_i32 = arith.constant 0 : i32
    %c0_i32_0 = arith.constant 0 : i32
    %c0_i32_1 = arith.constant 0 : i32
    return %c0_i32, %c0_i32_0 : i32, i32
  }
  func.func @transform_12(%arg0: i32, %arg1: i32) -> (i32, i32) {
    %c0_i32 = arith.constant 0 : i32
    %c0_i32_0 = arith.constant 0 : i32
    %c0_i32_1 = arith.constant 0 : i32
    return %c0_i32, %c0_i32_0 : i32, i32
  }
  func.func @transform_13(%arg0: i32, %arg1: i32) -> (i32, i32) {
    %c0_i32 = arith.constant 0 : i32
    %c0_i32_0 = arith.constant 0 : i32
    %c0_i32_1 = arith.constant 0 : i32
    return %c0_i32, %c0_i32_0 : i32, i32
  }
  func.func @transform_14(%arg0: i32, %arg1: i32) -> (i32, i32) {
    %c0_i32 = arith.constant 0 : i32
    %c0_i32_0 = arith.constant 0 : i32
    %c0_i32_1 = arith.constant 0 : i32
    return %c0_i32, %c0_i32_0 : i32, i32
  }
  func.func @transform_15(%arg0: i32, %arg1: i32) -> (i32, i32) {
    %c0_i32 = arith.constant 0 : i32
    %c0_i32_0 = arith.constant 0 : i32
    %c0_i32_1 = arith.constant 0 : i32
    return %c0_i32, %c0_i32_0 : i32, i32
  }
  func.func @transform_16(%arg0: i32, %arg1: i32) -> (i32, i32) {
    %c0_i32 = arith.constant 0 : i32
    %c0_i32_0 = arith.constant 0 : i32
    %c0_i32_1 = arith.constant 0 : i32
    return %c0_i32, %c0_i32_0 : i32, i32
  }
  func.func @transform_17(%arg0: i32, %arg1: i32) -> (i32, i32) {
    %c0_i32 = arith.constant 0 : i32
    %c0_i32_0 = arith.constant 0 : i32
    %c0_i32_1 = arith.constant 0 : i32
    return %c0_i32, %c0_i32_0 : i32, i32
  }
  func.func @transform_18(%arg0: i32, %arg1: i32) -> (i32, i32) {
    %c0_i32 = arith.constant 0 : i32
    %c0_i32_0 = arith.constant 0 : i32
    %c0_i32_1 = arith.constant 0 : i32
    return %c0_i32, %c0_i32_0 : i32, i32
  }
  func.func @transform_19(%arg0: i32, %arg1: i32) -> (i32, i32) {
    %c0_i32 = arith.constant 0 : i32
    %c0_i32_0 = arith.constant 0 : i32
    %c0_i32_1 = arith.constant 0 : i32
    return %c0_i32, %c0_i32_0 : i32, i32
  }
  func.func @transform_20(%arg0: i32, %arg1: i32) -> (i32, i32) {
    %c0_i32 = arith.constant 0 : i32
    %c0_i32_0 = arith.constant 0 : i32
    %c0_i32_1 = arith.constant 0 : i32
    return %c0_i32, %c0_i32_0 : i32, i32
  }
  func.func @transform_21(%arg0: i32, %arg1: i32) -> (i32, i32) {
    %c0_i32 = arith.constant 0 : i32
    %c0_i32_0 = arith.constant 0 : i32
    %c0_i32_1 = arith.constant 0 : i32
    return %c0_i32, %c0_i32_0 : i32, i32
  }
  func.func @transform_22(%arg0: i32, %arg1: i32) -> (i32, i32) {
    %c0_i32 = arith.constant 0 : i32
    %c0_i32_0 = arith.constant 0 : i32
    %c0_i32_1 = arith.constant 0 : i32
    return %c0_i32, %c0_i32_0 : i32, i32
  }
  func.func @transform_23(%arg0: i32, %arg1: i32) -> (i32, i32, i32, i32) {
    %c0_i32 = arith.constant 0 : i32
    %c0_i32_0 = arith.constant 0 : i32
    %c0_i32_1 = arith.constant 0 : i32
    return %arg0, %c0_i32, %arg1, %c0_i32_0 : i32, i32, i32, i32
  }
}

</mosaic_0001>

<sc_bundles>
// kernel: kernel.5.cloned.1.call-start
scs
__scs_entry_jumppad:
0x0: {  	(pc) =	sbr.rel $0x88, $3  }
0x1: {  	(tag) =	ssettag $0x0;
	lr =	simm.s32 $0x1  }
0x2: {  	[smem:$0x3F91] =	sst lr;
	_ =	strace $0xD0000000  }
0x3: {  	_ = 	snop  }
0x4: {  	_ = 	snop  }
0x5: {  	_ = 	snop  }
0x6: {  	_ = 	snop  }
0x7: {  	_ = 	snop  }
__scs_overlays_trampoline_lowered:
0x8: {  	[smem:$0x3FA0] =	sst s0  }
0x9: {  	[smem:$0x3FA1] =	sst s1  }
0xa: {  	[smem:$0x3FA2] =	sst s2  }
0xb: {  	[smem:$0x3FA3] =	sst s3  }
0xc: {  	[smem:$0x3FA4] =	sst s4  }
0xd: {  	[smem:$0x3FA5] =	sst s5  }
0xe: {  	[smem:$0x3FA6] =	sst s6  }
0xf: {  	[smem:$0x3FA7] =	sst s7  }
0x10: {  	[smem:$0x3FA8] =	sst s8  }
0x11: {  	[smem:$0x3FA9] =	sst s9;
	s0 =	simm.s32 @!p0 $0x0  }
0x12: {  	s1 =	sld [smem:$0x3F8F];
	s0 =	simm.s32 @p0 $0x1  }
0x13: {  	[smem:$0x3FAA] =	sst s0;
	s0 =	simm.s32 @!p1 $0x0  }
0x14: {  	s2 =	sld [smem:$0x3F8E];
	s0 =	simm.s32 @p1 $0x1  }
0x15: {  	[smem:$0x3FAB] =	sst s0;
	s0 =	simm.s32 @!p2 $0x0  }
0x16: {  	s3 =	sld [smem:$0x3FDB];
	s0 =	simm.s32 @p2 $0x1  }
0x17: {  	s4 =	simm.s32 $0x1BF5;
	[smem:$0x3FAD] =	sst s0  }
0x18: {  	s0 =	sld [smem:$0x3F90];
	_ =	swait.ge [sflag:s4], $0x0  }
0x19: {  	s7 =	sld [smem:$0x3F91]  }
0x1a: {  	s8 =	sadd.s32 $0xFFFFE003, lr  }
0x1b: {  	s9 =	sadd.s32 $0xFFFFFEF7, lr;
	s5 =	simm.s32 $0xFFFFFFFF;
	p2 =	slt.u32 s8, $0xFFFFF086  }
0x1c: {  	p1 =	slt.u32 s9, $0xF7A;
	s5 =	simm.s32 @!p2 $0x0  }
0x1d: {  	s5 =	simm.s32 @p1 $0x1;
	p0 =	seq.s32 s7, s2  }
0x1e: {  	s7 =	smul.u32 @!p0 $0xF7A, s2;
	p2 =	seq.s32 @!p0 s5, $0x0  }
0x1f: {  	s9 =	smul.u32 $0xF7A, s1;
	s8 =	simm.s32 @!p0 $0x1BF5;
	p2 =	por !p2, p0  }
0x20: {  	[sflag:s8] =	ssyncset.s32 @!p0 $0xFFFFF086;
	s6 =	sadd.s32 @!p0 s3, s7;
	s7 =	simm.s32 @!p0 $0x108  }
0x21: {  	s3 =	sadd.s32 s3, s9;
	s6 =	sadd.s32 @!p0 $0x88, s6;
	s7 =	simm.s32 @p2 $0x1082  }
0x22: {  	[simem:s7], [sflag:s8] =	dma.local @!p0 [hbm:s6], $0xF7A  }
0x23: {  	s9 =	sor.u32 $0xD0000000, s2;
	s6 =	simm.s32 $0x108;
	_ =	swait.ge @!p0 [sflag:s8], $0x0  }
0x24: {  	s3 =	sadd.s32 $0x88, s3;
	s6 =	simm.s32 @!p1 $0x1082;
	[sflag:s4] =	ssyncset.s32 $0xFFFFF086  }
0x25: {  	[simem:s6], [sflag:s4] =	dma.local [hbm:s3], $0xF7A  }
0x26: {  	[smem:$0x3F91] =	sst s1;
	(tag) =	ssettag s2;
	_ =	strace s9  }
0x27: {  	s1 =	sld [smem:$0x3FA1]  }
0x28: {  	s2 =	sld [smem:$0x3FA2]  }
0x29: {  	s4 =	sld [smem:$0x3FA4]  }
0x2a: {  	p0 =	seq.s32 s5, $0x0;
	s5 =	sld [smem:$0x3FA5]  }
0x2b: {  	s6 =	sld [smem:$0x3FA6]  }
0x2c: {  	s7 =	sld [smem:$0x3FA7]  }
0x2d: {  	s3 =	simm.s32 $0x108;
	s8 =	sld [smem:$0x3FA8]  }
0x2e: {  	s3 =	simm.s32 @!p0 $0x1082;
	s9 =	sld [smem:$0x3FA9]  }
0x2f: {  	lr =	sadd.s32 s0, s3;
	s0 =	sld [smem:$0x3FA0]  }
0x30: {  	s3 =	sld [smem:$0x3FA3]  }
0x31: {  	[smem:$0x3FAC] =	sst s10  }
0x32: {  	s10 =	sld [smem:$0x3FAA];
	_ =	sdelay $0x3  }
0x33: {  	p0 =	seq.s32 s10, $0x1;
	s10 =	sld [smem:$0x3FAC];
	_ =	sdelay $0x3  }
0x34: {  	[smem:$0x3FAC] =	sst s10  }
0x35: {  	s10 =	sld [smem:$0x3FAB];
	_ =	sdelay $0x3  }
0x36: {  	p1 =	seq.s32 s10, $0x1;
	s10 =	sld [smem:$0x3FAC];
	_ =	sdelay $0x3  }
0x37: {  	[smem:$0x3FAC] =	sst s10  }
0x38: {  	s10 =	sld [smem:$0x3FAD]  }
0x39: {  	_ = 	snop;
	(pc) =	sbr.ind lr, $3  }
0x3a: {  	_ = 	snop  }
0x3b: {  	_ = 	snop  }
0x3c: {  	p2 =	seq.s32 s10, $0x1;
	s10 =	sld [smem:$0x3FAC]  }
0x3d: {  	_ =	shalt  }
0x3e: {  	_ =	shalt  }
0x3f: {  	_ =	shalt  }
0x40: {  	_ =	shalt  }
0x41: {  	_ =	shalt  }
0x42: {  	_ =	shalt  }
0x43: {  	_ =	shalt  }
0x44: {  	_ =	shalt  }
0x45: {  	_ =	shalt  }
0x46: {  	_ =	shalt  }
0x47: {  	_ =	shalt  }
0x48: {  	_ =	shalt  }
0x49: {  	_ =	shalt  }
0x4a: {  	_ =	shalt  }
0x4b: {  	_ =	shalt  }
0x4c: {  	_ =	shalt  }
0x4d: {  	_ =	shalt  }
0x4e: {  	_ =	shalt  }
0x4f: {  	_ =	shalt  }
0x50: {  	_ =	shalt  }
0x51: {  	_ =	shalt  }
0x52: {  	_ =	shalt  }
0x53: {  	_ =	shalt  }
0x54: {  	_ =	shalt  }
0x55: {  	_ =	shalt  }
0x56: {  	_ =	shalt  }
0x57: {  	_ =	shalt  }
0x58: {  	_ =	shalt  }
0x59: {  	_ =	shalt  }
0x5a: {  	_ =	shalt  }
0x5b: {  	_ =	shalt  }
0x5c: {  	_ =	shalt  }
0x5d: {  	_ =	shalt  }
0x5e: {  	_ =	shalt  }
0x5f: {  	_ =	shalt  }
0x60: {  	_ =	shalt  }
0x61: {  	_ =	shalt  }
0x62: {  	_ =	shalt  }
0x63: {  	_ =	shalt  }
0x64: {  	_ =	shalt  }
0x65: {  	_ =	shalt  }
0x66: {  	_ =	shalt  }
0x67: {  	_ =	shalt  }
0x68: {  	_ =	shalt  }
0x69: {  	_ =	shalt  }
0x6a: {  	_ =	shalt  }
0x6b: {  	_ =	shalt  }
0x6c: {  	_ =	shalt  }
0x6d: {  	_ =	shalt  }
0x6e: {  	_ =	shalt  }
0x6f: {  	_ =	shalt  }
0x70: {  	_ =	shalt  }
0x71: {  	_ =	shalt  }
0x72: {  	_ =	shalt  }
0x73: {  	_ =	shalt  }
0x74: {  	_ =	shalt  }
0x75: {  	_ =	shalt  }
0x76: {  	_ =	shalt  }
0x77: {  	_ =	shalt  }
0x78: {  	_ =	shalt  }
0x79: {  	_ =	shalt  }
0x7a: {  	_ =	shalt  }
0x7b: {  	_ =	shalt  }
0x7c: {  	_ =	shalt  }
0x7d: {  	_ =	shalt  }
0x7e: {  	_ =	shalt  }
0x7f: {  	_ =	shalt  }
0x80: {  	_ =	shalt  }
0x81: {  	_ =	shalt  }
0x82: {  	_ =	shalt  }
0x83: {  	_ =	shalt  }
0x84: {  	_ =	shalt  }
0x85: {  	_ =	shalt  }
0x86: {  	_ =	shalt  }
0x87: {  	_ =	shalt  }
.Lfunc_end0:
.L_simem_size_0:
called_computation_lowered:
.L_overlay_start_0:
0x88: {  	s2 =	sld [smem:$0x3FD9]  }
0x89: {  	s3 =	sld [smem:$0x3FFE];
	_ =	sdelay $0x1  }
0x8a: {  	s1 =	srdreg.scid  }
0x8b: {  	s0 =	sand.u32 $0x1, s1  }
0x8c: {  	s17 =	sshll.u32 s0, $0xA;
	s2 =	sadd.s32 s3, s2  }
0x8d: {  	s2 =	sadd.s32 s2, s17  }
0x8e: {  	[smem:$0x3FB8] =	sst s2  }
0x8f: {  	_ = 	snop  }
0x90: {  	s2 =	sld [smem:$0x3FD0];
	(tm) =	ssettm $0x1  }
0x91: {  	s18 =	sld [smem:$0x3FFB];
	_ =	sdelay $0x3  }
0x92: {  	_ =	strace s18  }
0x93: {  	s3 =	sld [smem:$0x3FFC];
	_ =	sdelay $0x3  }
0x94: {  	_ =	strace s3  }
0x95: {  	s3 =	sld [smem:$0x3FFD];
	_ =	sdelay $0x3  }
0x96: {  	_ =	strace s3  }
0x97: {  	_ =	strace $0x8FFFFFFF  }
0x98: {  	s19 =	sld [smem:$0x3FDB];
	_ =	sdelay $0x1  }
0x99: {  	s4 =	simm.s32 $_scs_section_size  }
0x9a: {  	s5 =	simm.s32 $_size__tile_overlayer_lowered;
	s6 =	simm.s32 $_tile_overlayer_lowered  }
0x9b: {  	s22 =	simm.s32 $0x1BFF;
	s21 =	sshll.u32 s6, $0x1;
	s3 =	sadd.s32 s4, s19  }
0x9c: {  	s7 =	simm.s32 $0x0;
	s20 =	sshll.u32 s5, $0x1;
	s5 =	sadd.s32 s21, s3  }
0x9d: {  	[timem:s7], [sflag:s22] =	dma.local [hbm:s5], s20  }
0x9e: {  	_ =	swait.ge [sflag:s22], s20  }
0x9f: {  	s4 =	ssub.s32 $0x0, s20;
	[sflag:s22] =	ssyncset.done $0x0  }
0xa0: {  	[sflag:s22] =	ssyncadd.s32 s4;
	_ =	sdelay $0x1  }
0xa1: {  	s23 =	simm.s32 $0x1B8B  }
0xa2: {  	_ =	swait.ge [sflag:s23], $0x1  }
0xa3: {  	[sflag:s23] =	ssyncset.done $0x0  }
0xa4: {  	s25 =	simm.s32 $0x1B8E;
	s24 =	sld [smem:$0x3FFE];
	[sflag:s23] =	ssyncadd.s32 $0xFFFFFFFF  }
0xa5: {  	s26 =	simm.s32 $execute0_lowered;
	[smem:$0x3FD2] =	sst s25  }
0xa6: {  	s5 =	sshll.u32 s26, $0x1;
	_ =	strace $0x80000046;
	[dreg:$0x1] =	wrdreg $0xFFFFFFFF  }
0xa7: {  	s28 =	simm.s32 $_size_execute0_lowered;
	s3 =	sadd.s32 s3, s5;
	[dreg:$0x0] =	wrdreg $0x0  }
0xa8: {  	s5 =	sshll.u32 s28, $0x1;
	[dreg:$0x2] =	wrdreg s3  }
0xa9: {  	[dreg:$0x3] =	wrdreg s5  }
0xaa: {  	[dreg:$0x4] =	wrdreg $0xC0  }
0xab: {  	_ =	task [dreg:s7], $0x5FFFF  }
0xac: {  	[dreg:$0x1] =	wrdreg $0xFFFFFFFF  }
0xad: {  	[dreg:$0x0] =	wrdreg $0x60  }
0xae: {  	[dreg:$0x2] =	wrdreg s24  }
0xaf: {  	[dreg:$0x3] =	wrdreg s2  }
0xb0: {  	[dreg:$0x4] =	wrdreg $0x9  }
0xb1: {  	_ =	task.clear_ibuf [dreg:s7], $0x5FFFF;
	_ =	strace $0x90000046  }
0xb2: {  	s29 =	simm.s32 $0x9;
	_ =	strace $0x80000048  }
0xb3: {  	_ =	swait.ge [sflag:s29], $0x1  }
0xb4: {  	[sflag:s29] =	ssyncadd.s32 $0xFFFFFFFF  }
0xb5: {  	_ =	strace $0x90000048  }
0xb6: {  	_ =	sfence  }
0xb7: {  	s30 =	sld [smem:$0x0];
	_ =	sdelay $0x2  }
0xb8: {  	s31 =	sshll.u32 s1, $0xD;
	s1 =	sshrl.u32 s1, $0x2  }
0xb9: {  	s3 =	sand.u32 $0x4000, s31;
	s1 =	sadd.s32 s1, s30  }
0xba: {  	s0 =	sor.u32 s3, s0;
	s1 =	sshll.u32 s1, $0x11  }
0xbb: {  	s0 =	sor.u32 s1, s0  }
0xbc: {  	s0 =	sadd.s32 $0x8F2B, s0  }
0xbd: {  	[sflag:s0] =	ssyncadd.remote.s32 $0x1  }
0xbe: {  	_ =	sfence.sel $0xFFFF  }
0xbf: {  	[dreg:$0x0] =	wrdreg $0xFFFFFFFF;
	(pc) =	sbr.abs _section_cstart, $3  }
0xc0: {  	[dreg:$0x1] =	wrdreg $0xFFFFFFFF  }
0xc1: {  	_ =	task.clear_ibuf [dreg:s7], $0x2FFFF;
	_ =	strace $0x9FFFFFFF  }
0xc2: {  	(tm) =	ssettm $0x7FFFFFFF  }
0xc3: {  	_ =	shalt  }
tec
execute0_lowered:
.L_overlay_start_1:
0x0: {  	(tag) =	ssettag $0x1  }
0x1: {  	s3 =	rddreg [dreg:$0x0];
	s1 =	srdreg.scid  }
0x2: {  	s0 =	stileid.u32;
	s4 =	rddreg [dreg:$0x1]  }
0x3: {  	s8 =	simm.s32 $0x0;
	s5 =	sand.u32 $0x1, s1;
	s2 =	sshll.u32 s0, $0x1  }
0x4: {  	s1 =	rddreg [dreg:$0x2];
	s6 =	sor.u32 s5, s2;
	s2 =	simm.s32 $0x0  }
0x5: {  	s5 =	ssub.s32 $0x2, s5;
	s6 =	smul.u32 $0x1FB0, s6;
	[smem:$0x7FF] =	sst s2  }
0x6: {  	s3 =	sadd.s32 $0x2E00, s3;
	s7 =	sshrl.u32 s5, $0x1;
	_ =	strace $0x80000047  }
0x7: {  	s5 =	ssub.s32 s5, s7;
	s7 =	simm.s32 $0x18700;
	s31 =	sshrl.u32 s6, $0x3  }
0x8: {  	v1 =	vimm.s32 $0xFFFFFFFF;
	v2 =	vlaneseq.u32;
	s5 =	smax.u32 s5, $0x1;
	v0 =	vmov s6;
	s6 =	simm.s32 $0x1;
	s4 =	sadd.s32 s4, s31  }
.LBB2_1:
0x9: {  	[tilespmem:s2], [sflag:$0x1] =	stream.linear.gather [hbm4b:s3+s2], $0x18700, $0x38;
	[tilespmem:$0x1A700] =	vst v63  }
0xa: {  	_ =	swait.ge [sflag:s6], $0x18700  }
0xb: {  	[sflag:s6] =	ssyncset.done $0x0  }
0xc: {  	s9 =	simm.s32 $0x0;
	[sflag:s6] =	ssyncadd.s32 $0xFFFE7900  }
.LBB2_2:
0xd: {  	p0 =	sne.s32 s9, $0x7E80  }
.Ltmp0:
0xe: {  	_ = 	snop;
	(pc) =	sbr.rel @p0 .LBB2_2-.Ltmp0, $3  }
0xf: {  	_ =	sdelay $0x1  }
0x10: {  	s10 =	sshra.s32 s9, $0x2  }
0x11: {  	s9 =	sadd.s32 $0x40, s9;
	[tilespmem:s10+$0x18700] =	vst v1  }
0x12: {  	s9 =	simm.s32 $0x0  }
0x13: {  	s10 =	simm.s32 $0x10;
	s11 =	simm.s32 $0x0;
	v3 =	vld [tilespmem:s9+$0x0]  }
.LBB2_4:
0x14: {  	p0 =	sne.s32 s10, $0x18690;
	_ =	sdelay $0x3  }
0x15: {  	v3 =	vsub.s32 v3, v0  }
0x16: {  	vm0 =	vlt.u32 v3, $0x1FB0;
	_ =	sdelay $0x2  }
.Ltmp1:
0x17: {  	(pc) =	sbr.rel @p0 .LBB2_4-.Ltmp1, $4  }
0x18: {  	_ = 	snop  }
0x19: {  	v4 =	vor.u32 s9, v2;
	s9 =	smov.u32 s10  }
0x1a: {  	s11 =	sadd.s32 $0x10, s11;
	[tilespmem:v3+s7+$0x0] =	vst.idx.msk vm0, v4  }
0x1b: {  	s10 =	sadd.s32 $0x10, s10;
	v3 =	vld [tilespmem:s11+$0x0]  }
0x1c: {  	_ =	sdelay $0x3  }
0x1d: {  	v3 =	vsub.s32 v3, v0  }
0x1e: {  	vm0 =	vlt.u32 v3, $0x1FB0;
	_ =	sdelay $0x3  }
0x1f: {  	s8 =	sadd.s32 $0x1, s8  }
0x20: {  	v4 =	vor.u32 s9, v2;
	p0 =	sne.s32 s8, s5  }
.Ltmp2:
0x21: {  	[tilespmem:v3+s7+$0x0] =	vst.idx.msk vm0, v4;
	(pc) =	sbr.rel @p0 .LBB2_1-.Ltmp2, $4  }
0x22: {  	[hbm4b:s4+s2] =	stream.linear.scatter [tilespmem:s7], [sflag:$0x1], $0x1FB0, $0x38;
	[tilespmem:$0x1A700] =	vst v63  }
0x23: {  	_ =	swait.ge [sflag:s6], $0x1FB0  }
0x24: {  	[sflag:s6] =	ssyncset.done $0x0  }
0x25: {  	[sflag:s6] =	ssyncadd.s32 $0xFFFFE050  }
0x26: {  	_ =	sfence.sel $0x180000  }
0x27: {  	[bflag:$0x0] =	sbarrier.arrive $0xFFFF  }
0x28: {  	p0 =	sne.s32 s0, $0x0;
	_ =	strace $0x90000047  }
0x29: {  	s0 =	sadd.s32 @!p0 $0x100000, s1;
	[bflag:$0x2] =	sbarrier.arrive $0xFFFF  }
0x2a: {  	[sflag:s0] =	ssyncadd.tile.s32 @!p0 $0x1;
	_ =	shalt  }
.Lfunc_end2:
_tile_overlayer_lowered:
.L_overlay_start_2:
0x2b: {  	(tag) =	ssettag $0x2  }
0x2c: {  	s0 =	rddreg [dreg:$0x0];
	s2 =	stileid.u32  }
0x2d: {  	s1 =	rddreg [dreg:$0x1];
	p0 =	sne.s32 s2, $0x0  }
0x2e: {  	s3 =	rddreg [dreg:$0x2];
	[bflag:$0x3] =	sbarrier.arrive $0xFFFF;
	s2 =	simm.s32 @!p0 $0x1C01  }
0x2f: {  	[timem:s3], [sflag:s2] =	dma.local @!p0 [hbm:s0], s1  }
0x30: {  	s0 =	simm.s32 @!p0 $0x1  }
0x31: {  	_ =	swait.ge @!p0 [sflag:s0], s1  }
0x32: {  	s1 =	ssub.s32 @!p0 $0x0, s1;
	[sflag:s0] =	ssyncset.done @!p0 $0x0  }
0x33: {  	[sflag:s0] =	ssyncadd.s32 @!p0 s1  }
0x34: {  	[bflag:$0x3] =	sbarrier.arrive $0xFFFF  }
0x35: {  	_ =	shalt  }

// kernel: kernel.8.cloned.1.call-start
scs
__scs_entry_jumppad:
0x0: {  	(pc) =	sbr.rel $0x88, $3  }
0x1: {  	(tag) =	ssettag $0x0;
	lr =	simm.s32 $0x1  }
0x2: {  	[smem:$0x3F91] =	sst lr;
	_ =	strace $0xD0000000  }
0x3: {  	_ = 	snop  }
0x4: {  	_ = 	snop  }
0x5: {  	_ = 	snop  }
0x6: {  	_ = 	snop  }
0x7: {  	_ = 	snop  }
__scs_overlays_trampoline_lowered:
0x8: {  	[smem:$0x3FA0] =	sst s0  }
0x9: {  	[smem:$0x3FA1] =	sst s1  }
0xa: {  	[smem:$0x3FA2] =	sst s2  }
0xb: {  	[smem:$0x3FA3] =	sst s3  }
0xc: {  	[smem:$0x3FA4] =	sst s4  }
0xd: {  	[smem:$0x3FA5] =	sst s5  }
0xe: {  	[smem:$0x3FA6] =	sst s6  }
0xf: {  	[smem:$0x3FA7] =	sst s7  }
0x10: {  	[smem:$0x3FA8] =	sst s8  }
0x11: {  	[smem:$0x3FA9] =	sst s9;
	s0 =	simm.s32 @!p0 $0x0  }
0x12: {  	s1 =	sld [smem:$0x3F8F];
	s0 =	simm.s32 @p0 $0x1  }
0x13: {  	[smem:$0x3FAA] =	sst s0;
	s0 =	simm.s32 @!p1 $0x0  }
0x14: {  	s2 =	sld [smem:$0x3F8E];
	s0 =	simm.s32 @p1 $0x1  }
0x15: {  	[smem:$0x3FAB] =	sst s0;
	s0 =	simm.s32 @!p2 $0x0  }
0x16: {  	s3 =	sld [smem:$0x3FDB];
	s0 =	simm.s32 @p2 $0x1  }
0x17: {  	s4 =	simm.s32 $0x1BF5;
	[smem:$0x3FAD] =	sst s0  }
0x18: {  	s0 =	sld [smem:$0x3F90];
	_ =	swait.ge [sflag:s4], $0x0  }
0x19: {  	s7 =	sld [smem:$0x3F91]  }
0x1a: {  	s8 =	sadd.s32 $0xFFFFE003, lr  }
0x1b: {  	s9 =	sadd.s32 $0xFFFFFEF7, lr;
	s5 =	simm.s32 $0xFFFFFFFF;
	p2 =	slt.u32 s8, $0xFFFFF086  }
0x1c: {  	p1 =	slt.u32 s9, $0xF7A;
	s5 =	simm.s32 @!p2 $0x0  }
0x1d: {  	s5 =	simm.s32 @p1 $0x1;
	p0 =	seq.s32 s7, s2  }
0x1e: {  	s7 =	smul.u32 @!p0 $0xF7A, s2;
	p2 =	seq.s32 @!p0 s5, $0x0  }
0x1f: {  	s9 =	smul.u32 $0xF7A, s1;
	s8 =	simm.s32 @!p0 $0x1BF5;
	p2 =	por !p2, p0  }
0x20: {  	[sflag:s8] =	ssyncset.s32 @!p0 $0xFFFFF086;
	s6 =	sadd.s32 @!p0 s3, s7;
	s7 =	simm.s32 @!p0 $0x108  }
0x21: {  	s3 =	sadd.s32 s3, s9;
	s6 =	sadd.s32 @!p0 $0x88, s6;
	s7 =	simm.s32 @p2 $0x1082  }
0x22: {  	[simem:s7], [sflag:s8] =	dma.local @!p0 [hbm:s6], $0xF7A  }
0x23: {  	s9 =	sor.u32 $0xD0000000, s2;
	s6 =	simm.s32 $0x108;
	_ =	swait.ge @!p0 [sflag:s8], $0x0  }
0x24: {  	s3 =	sadd.s32 $0x88, s3;
	s6 =	simm.s32 @!p1 $0x1082;
	[sflag:s4] =	ssyncset.s32 $0xFFFFF086  }
0x25: {  	[simem:s6], [sflag:s4] =	dma.local [hbm:s3], $0xF7A  }
0x26: {  	[smem:$0x3F91] =	sst s1;
	(tag) =	ssettag s2;
	_ =	strace s9  }
0x27: {  	s1 =	sld [smem:$0x3FA1]  }
0x28: {  	s2 =	sld [smem:$0x3FA2]  }
0x29: {  	s4 =	sld [smem:$0x3FA4]  }
0x2a: {  	p0 =	seq.s32 s5, $0x0;
	s5 =	sld [smem:$0x3FA5]  }
0x2b: {  	s6 =	sld [smem:$0x3FA6]  }
0x2c: {  	s7 =	sld [smem:$0x3FA7]  }
0x2d: {  	s3 =	simm.s32 $0x108;
	s8 =	sld [smem:$0x3FA8]  }
0x2e: {  	s3 =	simm.s32 @!p0 $0x1082;
	s9 =	sld [smem:$0x3FA9]  }
0x2f: {  	lr =	sadd.s32 s0, s3;
	s0 =	sld [smem:$0x3FA0]  }
0x30: {  	s3 =	sld [smem:$0x3FA3]  }
0x31: {  	[smem:$0x3FAC] =	sst s10  }
0x32: {  	s10 =	sld [smem:$0x3FAA];
	_ =	sdelay $0x3  }
0x33: {  	p0 =	seq.s32 s10, $0x1;
	s10 =	sld [smem:$0x3FAC];
	_ =	sdelay $0x3  }
0x34: {  	[smem:$0x3FAC] =	sst s10  }
0x35: {  	s10 =	sld [smem:$0x3FAB];
	_ =	sdelay $0x3  }
0x36: {  	p1 =	seq.s32 s10, $0x1;
	s10 =	sld [smem:$0x3FAC];
	_ =	sdelay $0x3  }
0x37: {  	[smem:$0x3FAC] =	sst s10  }
0x38: {  	s10 =	sld [smem:$0x3FAD]  }
0x39: {  	_ = 	snop;
	(pc) =	sbr.ind lr, $3  }
0x3a: {  	_ = 	snop  }
0x3b: {  	_ = 	snop  }
0x3c: {  	p2 =	seq.s32 s10, $0x1;
	s10 =	sld [smem:$0x3FAC]  }
0x3d: {  	_ =	shalt  }
0x3e: {  	_ =	shalt  }
0x3f: {  	_ =	shalt  }
0x40: {  	_ =	shalt  }
0x41: {  	_ =	shalt  }
0x42: {  	_ =	shalt  }
0x43: {  	_ =	shalt  }
0x44: {  	_ =	shalt  }
0x45: {  	_ =	shalt  }
0x46: {  	_ =	shalt  }
0x47: {  	_ =	shalt  }
0x48: {  	_ =	shalt  }
0x49: {  	_ =	shalt  }
0x4a: {  	_ =	shalt  }
0x4b: {  	_ =	shalt  }
0x4c: {  	_ =	shalt  }
0x4d: {  	_ =	shalt  }
0x4e: {  	_ =	shalt  }
0x4f: {  	_ =	shalt  }
0x50: {  	_ =	shalt  }
0x51: {  	_ =	shalt  }
0x52: {  	_ =	shalt  }
0x53: {  	_ =	shalt  }
0x54: {  	_ =	shalt  }
0x55: {  	_ =	shalt  }
0x56: {  	_ =	shalt  }
0x57: {  	_ =	shalt  }
0x58: {  	_ =	shalt  }
0x59: {  	_ =	shalt  }
0x5a: {  	_ =	shalt  }
0x5b: {  	_ =	shalt  }
0x5c: {  	_ =	shalt  }
0x5d: {  	_ =	shalt  }
0x5e: {  	_ =	shalt  }
0x5f: {  	_ =	shalt  }
0x60: {  	_ =	shalt  }
0x61: {  	_ =	shalt  }
0x62: {  	_ =	shalt  }
0x63: {  	_ =	shalt  }
0x64: {  	_ =	shalt  }
0x65: {  	_ =	shalt  }
0x66: {  	_ =	shalt  }
0x67: {  	_ =	shalt  }
0x68: {  	_ =	shalt  }
0x69: {  	_ =	shalt  }
0x6a: {  	_ =	shalt  }
0x6b: {  	_ =	shalt  }
0x6c: {  	_ =	shalt  }
0x6d: {  	_ =	shalt  }
0x6e: {  	_ =	shalt  }
0x6f: {  	_ =	shalt  }
0x70: {  	_ =	shalt  }
0x71: {  	_ =	shalt  }
0x72: {  	_ =	shalt  }
0x73: {  	_ =	shalt  }
0x74: {  	_ =	shalt  }
0x75: {  	_ =	shalt  }
0x76: {  	_ =	shalt  }
0x77: {  	_ =	shalt  }
0x78: {  	_ =	shalt  }
0x79: {  	_ =	shalt  }
0x7a: {  	_ =	shalt  }
0x7b: {  	_ =	shalt  }
0x7c: {  	_ =	shalt  }
0x7d: {  	_ =	shalt  }
0x7e: {  	_ =	shalt  }
0x7f: {  	_ =	shalt  }
0x80: {  	_ =	shalt  }
0x81: {  	_ =	shalt  }
0x82: {  	_ =	shalt  }
0x83: {  	_ =	shalt  }
0x84: {  	_ =	shalt  }
0x85: {  	_ =	shalt  }
0x86: {  	_ =	shalt  }
0x87: {  	_ =	shalt  }
.Lfunc_end0:
.L_simem_size_0:
called_computation.1_lowered:
.L_overlay_start_0:
0x88: {  	s2 =	sld [smem:$0x3FD9]  }
0x89: {  	s3 =	sld [smem:$0x3FFE];
	_ =	sdelay $0x1  }
0x8a: {  	s1 =	srdreg.scid  }
0x8b: {  	s0 =	sand.u32 $0x1, s1  }
0x8c: {  	s17 =	sshll.u32 s0, $0xA;
	s2 =	sadd.s32 s3, s2  }
0x8d: {  	s2 =	sadd.s32 s2, s17  }
0x8e: {  	[smem:$0x3FB8] =	sst s2  }
0x8f: {  	_ = 	snop  }
0x90: {  	s2 =	sld [smem:$0x3FC9]  }
0x91: {  	s18 =	sld [smem:$0x3FD0];
	(tm) =	ssettm $0x1  }
0x92: {  	s4 =	sld [smem:$0x3FFB];
	_ =	sdelay $0x3  }
0x93: {  	_ =	strace s4  }
0x94: {  	s4 =	sld [smem:$0x3FFC];
	_ =	sdelay $0x3  }
0x95: {  	_ =	strace s4  }
0x96: {  	s4 =	sld [smem:$0x3FFD];
	_ =	sdelay $0x3  }
0x97: {  	_ =	strace s4  }
0x98: {  	_ =	strace $0x8FFFFFFF  }
0x99: {  	s19 =	sld [smem:$0x3FDB];
	_ =	sdelay $0x1  }
0x9a: {  	s5 =	simm.s32 $_scs_section_size  }
0x9b: {  	s6 =	simm.s32 $_size__tile_overlayer_lowered;
	s7 =	simm.s32 $_tile_overlayer_lowered  }
0x9c: {  	s22 =	simm.s32 $0x1BFF;
	s21 =	sshll.u32 s7, $0x1;
	s4 =	sadd.s32 s5, s19  }
0x9d: {  	s8 =	simm.s32 $0x0;
	s20 =	sshll.u32 s6, $0x1;
	s6 =	sadd.s32 s21, s4  }
0x9e: {  	[timem:s8], [sflag:s22] =	dma.local [hbm:s6], s20  }
0x9f: {  	_ =	swait.ge [sflag:s22], s20  }
0xa0: {  	s5 =	ssub.s32 $0x0, s20;
	[sflag:s22] =	ssyncset.done $0x0  }
0xa1: {  	[sflag:s22] =	ssyncadd.s32 s5;
	_ =	sdelay $0x1  }
0xa2: {  	s23 =	simm.s32 $0x1B8B  }
0xa3: {  	_ =	swait.ge [sflag:s23], $0x1  }
0xa4: {  	[sflag:s23] =	ssyncset.done $0x0  }
0xa5: {  	s25 =	simm.s32 $0x1B8E;
	s24 =	sld [smem:$0x3FFE];
	[sflag:s23] =	ssyncadd.s32 $0xFFFFFFFF  }
0xa6: {  	s26 =	simm.s32 $execute0_lowered;
	[smem:$0x3FD2] =	sst s25  }
0xa7: {  	s6 =	sshll.u32 s26, $0x1;
	_ =	strace $0x80000049;
	[dreg:$0x1] =	wrdreg $0xFFFFFFFF  }
0xa8: {  	s28 =	simm.s32 $_size_execute0_lowered;
	s4 =	sadd.s32 s4, s6;
	[dreg:$0x0] =	wrdreg $0x0  }
0xa9: {  	s6 =	sshll.u32 s28, $0x1;
	[dreg:$0x2] =	wrdreg s4  }
0xaa: {  	[dreg:$0x3] =	wrdreg s6  }
0xab: {  	[dreg:$0x4] =	wrdreg $0xC0  }
0xac: {  	_ =	task [dreg:s8], $0x5FFFF  }
0xad: {  	[dreg:$0x1] =	wrdreg $0xFFFFFFFF  }
0xae: {  	[dreg:$0x0] =	wrdreg $0x60  }
0xaf: {  	[dreg:$0x2] =	wrdreg s18  }
0xb0: {  	[dreg:$0x3] =	wrdreg s2  }
0xb1: {  	[dreg:$0x4] =	wrdreg s24  }
0xb2: {  	[dreg:$0x5] =	wrdreg $0x9  }
0xb3: {  	_ =	task.clear_ibuf [dreg:s8], $0x6FFFF;
	_ =	strace $0x90000049  }
0xb4: {  	s29 =	simm.s32 $0x9;
	_ =	strace $0x8000004B  }
0xb5: {  	_ =	swait.ge [sflag:s29], $0x1  }
0xb6: {  	[sflag:s29] =	ssyncadd.s32 $0xFFFFFFFF  }
0xb7: {  	_ =	strace $0x9000004B  }
0xb8: {  	_ =	sfence  }
0xb9: {  	s30 =	sld [smem:$0x0];
	_ =	sdelay $0x2  }
0xba: {  	s31 =	sshll.u32 s1, $0xD;
	s1 =	sshrl.u32 s1, $0x2  }
0xbb: {  	s3 =	sand.u32 $0x4000, s31;
	s1 =	sadd.s32 s1, s30  }
0xbc: {  	s0 =	sor.u32 s3, s0;
	s1 =	sshll.u32 s1, $0x11  }
0xbd: {  	s0 =	sor.u32 s1, s0  }
0xbe: {  	s0 =	sadd.s32 $0x8F2B, s0  }
0xbf: {  	[sflag:s0] =	ssyncadd.remote.s32 $0x1  }
0xc0: {  	_ =	sfence.sel $0xFFFF  }
0xc1: {  	[dreg:$0x0] =	wrdreg $0xFFFFFFFF;
	(pc) =	sbr.abs _section_cstart, $3  }
0xc2: {  	[dreg:$0x1] =	wrdreg $0xFFFFFFFF  }
0xc3: {  	_ =	task.clear_ibuf [dreg:s8], $0x2FFFF;
	_ =	strace $0x9FFFFFFF  }
0xc4: {  	(tm) =	ssettm $0x7FFFFFFF  }
0xc5: {  	_ =	shalt  }
tec
execute0_lowered:
.L_overlay_start_1:
0x0: {  	(tag) =	ssettag $0x1  }
0x1: {  	s4 =	rddreg [dreg:$0x0]  }
0x2: {  	s2 =	rddreg [dreg:$0x1]  }
0x3: {  	s5 =	rddreg [dreg:$0x2];
	s1 =	stileid.u32  }
0x4: {  	s3 =	srdreg.scid;
	s0 =	rddreg [dreg:$0x3];
	s12 =	simm.s32 $0x1  }
0x5: {  	s13 =	simm.s32 $0x2;
	s14 =	simm.s32 $0x0;
	s8 =	smul.u32 $0x3F600, s1  }
0x6: {  	s6 =	sand.u32 $0x1, s3;
	s7 =	sshll.u32 s1, $0x1;
	s10 =	smul.u32 $0x3F60, s1  }
0x7: {  	s3 =	simm.s32 $0x0;
	s7 =	sor.u32 s6, s7;
	s11 =	smul.u32 $0x1FB00, s6  }
0x8: {  	[smem:$0x7FF] =	sst s3;
	s9 =	ssub.s32 $0x2, s6;
	s6 =	smul.u32 $0x1FB0, s6  }
0x9: {  	s7 =	smul.u32 $0x1FB0, s7;
	s8 =	sadd.s32 s8, s5;
	s30 =	sshrl.u32 s9, $0x1  }
0xa: {  	_ =	strace $0x8000004A;
	s5 =	ssub.s32 s9, s30;
	s31 =	sadd.s32 s11, s8  }
0xb: {  	s6 =	sadd.s32 s6, s10;
	s8 =	simm.s32 $0x3;
	s9 =	simm.s32 $0x138  }
0xc: {  	v0 =	vlaneseq.u32;
	s10 =	simm.s32 $0x2000;
	s11 =	simm.s32 $0xBC00;
	s7 =	sshrl.u32 s7, $0x3  }
0xd: {  	v1 =	vor.u32 $0xFFFE7960, v0;
	s5 =	smax.u32 s5, $0x1;
	s4 =	sadd.s32 s4, s7;
	s7 =	sadd.s32 $0x4180, s31  }
.LBB2_1:
0xe: {  	[tilespmem:s3], [sflag:$0x3] =	stream.linear.gather [hbm4b:s4+s3], $0x1FB0, $0x38;
	[tilespmem:$0x15800] =	vst v63  }
0xf: {  	_ =	swait.ge [sflag:s8], $0x1FB0  }
0x10: {  	[sflag:s8] =	ssyncset.done $0x0  }
0x11: {  	s16 =	simm.s32 $0x0;
	[sflag:s8] =	ssyncadd.s32 $0xFFFFE050  }
0x12: {  	v2 =	vld [tilespmem:s16+$0x0]  }
0x13: {  	v3 =	vmov s6  }
0x14: {  	v4 =	vor.u32 s6, v0;
	vm0 =	vgt.u32 v3, $0x1869F;
	v3 =	vadd.s32 s6, v1  }
0x15: {  	v3 =	vsel vm0, v3, v4  }
0x16: {  	vm0 =	vgt.s32 v3, $0x1869F;
	v4 =	vadd.s32 $0xFFFE7960, v3  }
0x17: {  	v3 =	vsel vm0, v4, v3;
	vm15 =	vlt.s32 v2, $0x0  }
0x18: {  	v2 =	vsel vm15, v3, v2  }
0x19: {  	s15 =	simm.s32 $0x10;
	s17 =	simm.s32 $0x80;
	[tilespmem:s16+$0x0] =	vst v2;
	s16 =	smov.u32 s6  }
.LBB2_2:
0x1a: {  	p0 =	sne.s32 s17, $0x7E80;
	v2 =	vld [tilespmem:s15+$0x0];
	s16 =	sadd.s32 $0x10, s16  }
0x1b: {  	v3 =	vmov s16  }
0x1c: {  	v4 =	vor.u32 s16, v0;
	vm0 =	vgt.u32 v3, $0x1869F;
	v3 =	vadd.s32 s16, v1  }
.Ltmp0:
0x1d: {  	v3 =	vsel vm0, v3, v4;
	(pc) =	sbr.rel @p0 .LBB2_2-.Ltmp0, $4  }
0x1e: {  	vm0 =	vgt.s32 v3, $0x1869F;
	v4 =	vadd.s32 $0xFFFE7960, v3  }
0x1f: {  	v3 =	vsel vm0, v4, v3;
	vm0 =	vlt.s32 v2, $0x0  }
0x20: {  	v2 =	vsel vm0, v3, v2  }
0x21: {  	[tilespmem:s15+$0x0] =	vst v2;
	s15 =	sshra.s32 s17, $0x2;
	s17 =	sadd.s32 $0x40, s17  }
0x22: {  	v2 =	vld [tilespmem:s15+$0x0];
	s16 =	sadd.s32 $0x10, s16  }
0x23: {  	v3 =	vmov s16  }
0x24: {  	v4 =	vor.u32 s16, v0;
	vm0 =	vgt.u32 v3, $0x1869F;
	v3 =	vadd.s32 s16, v1  }
0x25: {  	v3 =	vsel vm0, v3, v4  }
0x26: {  	vm0 =	vgt.s32 v3, $0x1869F;
	v4 =	vadd.s32 $0xFFFE7960, v3  }
0x27: {  	v3 =	vsel vm0, v4, v3;
	vm15 =	vlt.s32 v2, $0x0  }
0x28: {  	v2 =	vsel vm15, v3, v2  }
0x29: {  	s29 =	simm.s32 $0x0;
	[tilespmem:s15+$0x0] =	vst v2  }
0x2a: {  	[tilespmem:s10], [sflag:$0x1] =	stream.indirect.gather [hbm4b:s2+s9], $0x80, s29, s9, $0xb8;
	[tilespmem:$0x15800] =	vst v63  }
0x2b: {  	s30 =	simm.s32 $0x138  }
0x2c: {  	[tilespmem:s11], [sflag:$0x2] =	stream.indirect.gather [hbm4b:s2+s9], $0x80, s30, s9, $0xb8;
	[tilespmem:$0x15800] =	vst v63  }
0x2d: {  	_ =	swait.ge [sflag:s12], $0x9C00  }
0x2e: {  	[sflag:s12] =	ssyncset.done $0x0  }
0x2f: {  	s31 =	sadd.s32 $0xFFFFEC80, s7;
	[sflag:s12] =	ssyncadd.s32 $0xFFFF6400  }
0x30: {  	[hbm4b:s31+s3] =	stream.linear.scatter [tilespmem:s10], [sflag:$0x3], $0x9C00, $0x38;
	[tilespmem:$0x15800] =	vst v63  }
0x31: {  	_ =	swait.ge [sflag:s8], $0x9C00  }
0x32: {  	[sflag:s8] =	ssyncset.done $0x0  }
0x33: {  	[sflag:s8] =	ssyncadd.s32 $0xFFFF6400  }
0x34: {  	_ =	swait.ge [sflag:s13], $0x9C00  }
0x35: {  	[sflag:s13] =	ssyncset.done $0x0  }
0x36: {  	[sflag:s13] =	ssyncadd.s32 $0xFFFF6400  }
0x37: {  	[hbm4b:s7+s3] =	stream.linear.scatter [tilespmem:s11], [sflag:$0x3], $0x9C00, $0x38;
	[tilespmem:$0x15800] =	vst v63  }
0x38: {  	s17 =	simm.s32 $0x1380;
	_ =	swait.ge [sflag:s8], $0x9C00  }
0x39: {  	s16 =	simm.s32 $0x9C0;
	s15 =	sadd.s32 $0x2700, s7;
	[sflag:s8] =	ssyncset.done $0x0  }
.LBB2_4:
0x3a: {  	s18 =	sshra.s32 s16, $0x2  }
0x3b: {  	[sflag:s8] =	ssyncadd.s32 $0xFFFF6400;
	s16 =	smov.u32 s17;
	s19 =	sadd.s32 $0x9C0, s17  }
0x3c: {  	[tilespmem:s10], [sflag:$0x1] =	stream.indirect.gather [hbm4b:s2+s9], $0x80, s18, s9, $0xb8;
	[tilespmem:$0x15800] =	vst v63  }
0x3d: {  	p0 =	sne.s32 s17, $0x7500;
	s17 =	sadd.s32 $0x138, s18  }
0x3e: {  	[tilespmem:s11], [sflag:$0x2] =	stream.indirect.gather [hbm4b:s2+s9], $0x80, s17, s9, $0xb8;
	[tilespmem:$0x15800] =	vst v63  }
0x3f: {  	_ =	swait.ge [sflag:s12], $0x9C00  }
0x40: {  	[sflag:s12] =	ssyncset.done $0x0  }
0x41: {  	s17 =	sadd.s32 $0xFFFFEC80, s15;
	[sflag:s12] =	ssyncadd.s32 $0xFFFF6400  }
0x42: {  	[hbm4b:s17+s3] =	stream.linear.scatter [tilespmem:s10], [sflag:$0x3], $0x9C00, $0x38;
	[tilespmem:$0x15800] =	vst v63  }
0x43: {  	_ =	swait.ge [sflag:s8], $0x9C00  }
0x44: {  	[sflag:s8] =	ssyncset.done $0x0  }
0x45: {  	[sflag:s8] =	ssyncadd.s32 $0xFFFF6400  }
0x46: {  	_ =	swait.ge [sflag:s13], $0x9C00  }
.Ltmp1:
0x47: {  	[sflag:s13] =	ssyncset.done $0x0;
	(pc) =	sbr.rel @p0 .LBB2_4-.Ltmp1, $4  }
0x48: {  	[sflag:s13] =	ssyncadd.s32 $0xFFFF6400  }
0x49: {  	[hbm4b:s15+s3] =	stream.linear.scatter [tilespmem:s11], [sflag:$0x3], $0x9C00, $0x38;
	[tilespmem:$0x15800] =	vst v63  }
0x4a: {  	_ =	swait.ge [sflag:s8], $0x9C00  }
0x4b: {  	s17 =	smov.u32 s19;
	s15 =	sadd.s32 $0x2700, s15;
	[sflag:s8] =	ssyncset.done $0x0  }
0x4c: {  	s16 =	sshra.s32 s16, $0x2;
	[sflag:s8] =	ssyncadd.s32 $0xFFFF6400  }
0x4d: {  	[tilespmem:s10], [sflag:$0x1] =	stream.indirect.gather [hbm4b:s2+s9], $0x80, s16, s9, $0xb8;
	[tilespmem:$0x15800] =	vst v63  }
0x4e: {  	s16 =	sadd.s32 $0x138, s16  }
0x4f: {  	[tilespmem:s11], [sflag:$0x2] =	stream.indirect.gather [hbm4b:s2+s9], $0x80, s16, s9, $0xb8;
	[tilespmem:$0x15800] =	vst v63  }
0x50: {  	_ =	swait.ge [sflag:s12], $0x9C00  }
0x51: {  	[sflag:s12] =	ssyncset.done $0x0  }
0x52: {  	s31 =	sadd.s32 $0xFFFFEC80, s15;
	[sflag:s12] =	ssyncadd.s32 $0xFFFF6400  }
0x53: {  	[hbm4b:s31+s3] =	stream.linear.scatter [tilespmem:s10], [sflag:$0x3], $0x9C00, $0x38;
	[tilespmem:$0x15800] =	vst v63  }
0x54: {  	_ =	swait.ge [sflag:s8], $0x9C00  }
0x55: {  	[sflag:s8] =	ssyncset.done $0x0  }
0x56: {  	[sflag:s8] =	ssyncadd.s32 $0xFFFF6400  }
0x57: {  	s14 =	sadd.s32 $0x1, s14;
	_ =	swait.ge [sflag:s13], $0x9C00  }
0x58: {  	p0 =	sne.s32 s14, s5;
	[sflag:s13] =	ssyncset.done $0x0  }
.Ltmp2:
0x59: {  	[sflag:s13] =	ssyncadd.s32 $0xFFFF6400;
	(pc) =	sbr.rel @p0 .LBB2_1-.Ltmp2, $4  }
0x5a: {  	[hbm4b:s15+s3] =	stream.linear.scatter [tilespmem:s11], [sflag:$0x3], $0x9C00, $0x38;
	[tilespmem:$0x15800] =	vst v63  }
0x5b: {  	_ =	swait.ge [sflag:s8], $0x9C00  }
0x5c: {  	[sflag:s8] =	ssyncset.done $0x0  }
0x5d: {  	[sflag:s8] =	ssyncadd.s32 $0xFFFF6400  }
0x5e: {  	_ =	sfence.sel $0x180000  }
0x5f: {  	[bflag:$0x0] =	sbarrier.arrive $0xFFFF  }
0x60: {  	p0 =	sne.s32 s1, $0x0;
	_ =	strace $0x9000004A  }
0x61: {  	s0 =	sadd.s32 @!p0 $0x100000, s0;
	[bflag:$0x2] =	sbarrier.arrive $0xFFFF  }
0x62: {  	[sflag:s0] =	ssyncadd.tile.s32 @!p0 $0x1;
	_ =	shalt  }
.Lfunc_end2:
_tile_overlayer_lowered:
.L_overlay_start_2:
0x63: {  	(tag) =	ssettag $0x2  }
0x64: {  	s0 =	rddreg [dreg:$0x0];
	s2 =	stileid.u32  }
0x65: {  	s1 =	rddreg [dreg:$0x1];
	p0 =	sne.s32 s2, $0x0  }
0x66: {  	s3 =	rddreg [dreg:$0x2];
	[bflag:$0x3] =	sbarrier.arrive $0xFFFF;
	s2 =	simm.s32 @!p0 $0x1C03  }
0x67: {  	[timem:s3], [sflag:s2] =	dma.local @!p0 [hbm:s0], s1  }
0x68: {  	s0 =	simm.s32 @!p0 $0x3  }
0x69: {  	_ =	swait.ge @!p0 [sflag:s0], s1  }
0x6a: {  	s1 =	ssub.s32 @!p0 $0x0, s1;
	[sflag:s0] =	ssyncset.done @!p0 $0x0  }
0x6b: {  	[sflag:s0] =	ssyncadd.s32 @!p0 s1  }
0x6c: {  	[bflag:$0x3] =	sbarrier.arrive $0xFFFF  }
0x6d: {  	_ =	shalt  }

</sc_bundles>
